<compile_context>
chip_gen: v7x
topology: tpu7x:2x2x1
jax: 0.10.2.dev20260603
libtpu: 0.0.44.dev20260713+nightly
codegen_flags: <defaults>
</compile_context>

<pallas_src>
import jax
import jax.numpy as jnp
from jax import lax
from jax.experimental import pallas as pl
from jax.experimental.pallas import tpu as pltpu
from jax.experimental.pallas import tpu_sc as plsc

N = 10000
E = 320000
EMB = 128
HID = 128
H = 3

NC = 2
NS = 16
NW = NC * NS
EPW = E // NW
C = 80
NCHUNK = EPW // C

ROWL = 512
ROWR = 384

NB = 400
ACCW = 16
NPAD = 10240
NR = NPAD // NS


def _prep_body(x_ref, wl_ref, bl_ref, wr_ref, br_ref, linw_ref,
               xl_ref, xr_ref):
  x = x_ref[...]
  xl = jnp.dot(x, wl_ref[...], preferred_element_type=jnp.float32) + bl_ref[...]
  xr = jnp.dot(x, wr_ref[...], preferred_element_type=jnp.float32) + br_ref[...]
  sl = [jnp.dot(xl[:, h * HID:(h + 1) * HID], linw_ref[...],
                preferred_element_type=jnp.float32) for h in range(H)]
  tail = jnp.concatenate(sl + [jnp.zeros((NB, ROWL - H * HID - H), jnp.float32)],
                         axis=1)
  xl_ref[...] = jnp.concatenate([xl, tail], axis=1)
  xr_ref[...] = xr


def _fused_body(attr_ref, simw_ref, out_ref):
  sw = simw_ref[...]
  sw = sw - jnp.max(sw)
  e = jnp.exp(sw)
  w = e / jnp.sum(e)
  f = jnp.sum(attr_ref[...] * w, axis=1, keepdims=True)
  out_ref[...] = jnp.broadcast_to(f, (f.shape[0], ACCW))


def _sc_body(xl_hbm, xr_hbm, src_hbm, dst_hbm, fused_hbm, we_hbm, att_hbm,
             out_hbm,
             src_v, dst_v, fz_v, xl_v, xr_v, row_v, we_v, att_v, io_v, acc_sh,
             sem1, sem2):
  cid = lax.axis_index("c")
  sid = lax.axis_index("s")
  wid = cid * NS + sid

  zvec = jnp.zeros((16,), jnp.float32)

  def zrow(j, zc):
    io_v[j, :] = zvec
    return zc

  lax.fori_loop(0, NR, zrow, 0, unroll=False)
  pltpu.sync_copy(io_v, acc_sh.at[pl.ds(sid * NR, NR)])
  pltpu.sync_copy(we_hbm, we_v)
  pltpu.sync_copy(att_hbm, att_v)
  plsc.subcore_barrier()

  iota = lax.iota(jnp.int32, 16)
  one = jnp.float32(1.0)
  zero = jnp.float32(0.0)
  dh = [jnp.where((iota == h) | (iota == h + 3), one, zero) for h in range(H)]
  oh = [jnp.where(iota == h + 3, one, zero) for h in range(H)]
  mask012 = jnp.where(iota < 3, one, zero)

  base0 = wid * EPW

  def chunk_body(ci, carry):
    base = base0 + ci * C
    pltpu.sync_copy(src_hbm.at[pl.ds(base, C)], src_v)
    pltpu.sync_copy(dst_hbm.at[pl.ds(base, C)], dst_v)
    pltpu.sync_copy(fused_hbm.at[pl.ds(base, C)], fz_v)
    cp1 = pltpu.async_copy(xl_hbm.at[src_v], xl_v, sem1)
    cp2 = pltpu.async_copy(xr_hbm.at[dst_v], xr_v, sem2)
    cp1.wait()
    cp2.wait()

    def edge_body(j, ecarry):
      fj = fz_v[j]
      heads = []
      for h in range(H):
        acc = None
        for k in range(HID // 16):
          off = h * HID + k * 16
          z = (xl_v[j, pl.ds(off, 16)] + xr_v[j, pl.ds(off, 16)]
               + fj * we_v[h, pl.ds(k * 16, 16)])
          zlr = jnp.where(z >= zero, z, z * jnp.float32(0.2))
          t = zlr * att_v[h, pl.ds(k * 16, 16)]
          acc = t if acc is None else acc + t
        heads.append(jnp.sum(acc))
      alpha_vec = heads[0] * dh[0] + heads[1] * dh[1] + heads[2] * dh[2]
      ex = jnp.exp(alpha_vec)
      slv16 = xl_v[j, pl.ds(H * HID, 16)]
      slv = slv16[0] * oh[0] + slv16[1] * oh[1] + slv16[2] * oh[2]
      row_v[j, :] = ex * (mask012 + slv)
      return ecarry

    lax.fori_loop(0, C, edge_body, 0, unroll=False)
    pltpu.sync_copy(row_v, acc_sh.at[dst_v], add=True)
    return carry

  lax.fori_loop(0, NCHUNK, chunk_body, 0, unroll=False)
  plsc.subcore_barrier()
  pltpu.sync_copy(acc_sh.at[pl.ds(sid * NR, NR)], io_v)
  pltpu.sync_copy(io_v, out_hbm.at[pl.ds(cid * NPAD + sid * NR, NR)])


def _final_body(acc_ref, bias_ref, linw_ref, linb_ref, out_ref):
  d = acc_ref[0:N] + acc_ref[NPAD:NPAD + N]
  den = d[:, 0:H]
  num = d[:, H:2 * H]
  ratio = num / (den + jnp.float32(1e-16))
  const = jnp.sum(bias_ref[...] * linw_ref[...]) + linb_ref[0, 0]
  scores = jnp.sum(ratio, axis=1, keepdims=True) / jnp.float32(H) + const
  m = jnp.max(scores)
  e = jnp.exp(scores - m)
  out_ref[...] = e / jnp.sum(e)


def kernel(edge_index, edge_attr, path_emb, sim_w, W_l, b_l, W_r, b_r, W_e,
           att, bias, lin_W, lin_b):
  src = edge_index[0]
  dst = edge_index[1]

  nblocks = N // NB
  xl_ext, xr_ext = pl.pallas_call(
      _prep_body,
      grid=(nblocks,),
      in_specs=[
          pl.BlockSpec((NB, EMB), lambda i: (i, 0)),
          pl.BlockSpec((EMB, H * HID), lambda i: (0, 0)),
          pl.BlockSpec((1, H * HID), lambda i: (0, 0)),
          pl.BlockSpec((EMB, H * HID), lambda i: (0, 0)),
          pl.BlockSpec((1, H * HID), lambda i: (0, 0)),
          pl.BlockSpec((EMB, 1), lambda i: (0, 0)),
      ],
      out_specs=[
          pl.BlockSpec((NB, ROWL), lambda i: (i, 0)),
          pl.BlockSpec((NB, ROWR), lambda i: (i, 0)),
      ],
      out_shape=[
          jax.ShapeDtypeStruct((N, ROWL), jnp.float32),
          jax.ShapeDtypeStruct((N, ROWR), jnp.float32),
      ],
  )(path_emb, W_l, b_l.reshape(1, -1), W_r, b_r.reshape(1, -1), lin_W)

  EB = 8000
  fused = pl.pallas_call(
      _fused_body,
      grid=(E // EB,),
      in_specs=[
          pl.BlockSpec((EB, edge_attr.shape[1]), lambda i: (i, 0)),
          pl.BlockSpec((1, sim_w.shape[0]), lambda i: (0, 0)),
      ],
      out_specs=pl.BlockSpec((EB, ACCW), lambda i: (i, 0)),
      out_shape=jax.ShapeDtypeStruct((E, ACCW), jnp.float32),
  )(edge_attr, sim_w.reshape(1, -1))

  we_r = W_e.reshape(H, HID)

  mesh = plsc.VectorSubcoreMesh(core_axis_name="c", subcore_axis_name="s",
                                num_cores=NC, num_subcores=NS)
  acc = pl.kernel(
      _sc_body,
      out_type=jax.ShapeDtypeStruct((NC * NPAD, ACCW), jnp.float32),
      mesh=mesh,
      compiler_params=pltpu.CompilerParams(needs_layout_passes=False,
                                           use_tc_tiling_on_sc=False),
      scratch_types=[
          pltpu.VMEM((C,), jnp.int32),
          pltpu.VMEM((C,), jnp.int32),
          pltpu.VMEM((C, ACCW), jnp.float32),
          pltpu.VMEM((C, ROWL), jnp.float32),
          pltpu.VMEM((C, ROWR), jnp.float32),
          pltpu.VMEM((C, ACCW), jnp.float32),
          pltpu.VMEM((H, HID), jnp.float32),
          pltpu.VMEM((H, HID), jnp.float32),
          pltpu.VMEM((NR, ACCW), jnp.float32),
          pltpu.VMEM_SHARED((NPAD, ACCW), jnp.float32),
          pltpu.SemaphoreType.DMA,
          pltpu.SemaphoreType.DMA,
      ],
  )(xl_ext, xr_ext, src, dst, fused, we_r, att)

  weights = pl.pallas_call(
      _final_body,
      in_specs=[
          pl.BlockSpec((NC * NPAD, ACCW), lambda: (0, 0)),
          pl.BlockSpec((1, HID), lambda: (0, 0)),
          pl.BlockSpec((1, HID), lambda: (0, 0)),
          pl.BlockSpec((1, 1), lambda: (0, 0)),
      ],
      out_specs=pl.BlockSpec((N, 1), lambda: (0, 0)),
      out_shape=jax.ShapeDtypeStruct((N, 1), jnp.float32),
  )(acc, bias.reshape(1, -1), lin_W.reshape(1, -1), lin_b.reshape(1, 1))
  return weights.reshape(N)

# --- scband reference (transcript-rebuilt; emitter-appended) ---
"""Pipeline reference for scband-mcgsgcn-49778670961187 (READ-ONLY COPY).

The authoritative reference and input builder live on the scoring server;
editing this copy changes nothing except your own understanding.
"""

import jax, jax.numpy as jnp
import numpy as np

N = 10000
E = 320000
EMB = 128
HID = 128
H = 3
S = 3


def setup_inputs(seed: int = 0) -> dict:
    key = jax.random.key(seed)
    ks = jax.random.split(key, 12)
    edge_index = jax.random.randint(ks[0], (2, E), 0, N, dtype=jnp.int32)
    edge_attr = jax.random.uniform(ks[1], (E, S), dtype=jnp.float32)
    path_emb = jax.random.normal(ks[2], (N, EMB), dtype=jnp.float32) * 0.1
    sim_w = jnp.ones((S,), dtype=jnp.float32)
    W_l = jax.random.normal(ks[3], (EMB, H * HID), dtype=jnp.float32) / np.sqrt(EMB)
    b_l = jnp.zeros((H * HID,), dtype=jnp.float32)
    W_r = jax.random.normal(ks[4], (EMB, H * HID), dtype=jnp.float32) / np.sqrt(EMB)
    b_r = jnp.zeros((H * HID,), dtype=jnp.float32)
    W_e = jax.random.normal(ks[5], (1, H * HID), dtype=jnp.float32)
    att = jax.random.normal(ks[6], (H, HID), dtype=jnp.float32) / np.sqrt(HID)
    bias = jnp.zeros((HID,), dtype=jnp.float32)
    lin_W = jax.random.normal(ks[7], (HID, 1), dtype=jnp.float32) / np.sqrt(HID)
    lin_b = jnp.zeros((1,), dtype=jnp.float32)
    return {
        'edge_index': edge_index, 'edge_attr': edge_attr, 'path_emb': path_emb,
        'sim_w': sim_w, 'W_l': W_l, 'b_l': b_l, 'W_r': W_r, 'b_r': b_r,
        'W_e': W_e, 'att': att, 'bias': bias, 'lin_W': lin_W, 'lin_b': lin_b,
    }


def reference(edge_index, edge_attr, path_emb, sim_w, W_l, b_l, W_r, b_r, W_e, att, bias, lin_W, lin_b):
    src = edge_index[0]
    dst = edge_index[1]
    # SimFusionModule: softmax-weighted combination of the sim features -> [E, 1]
    w = jax.nn.softmax(sim_w, axis=0)
    fused = (edge_attr * w[None, :]).sum(axis=1, keepdims=True)
    # PathEmbedding: learned node (path) embeddings
    x = path_emb
    # GATv2Conv(emb_dim, hidden_dim, heads=H, concat=False, add_self_loops=False, edge_dim=1)
    xl = (x @ W_l + b_l).reshape(N, H, HID)
    xr = (x @ W_r + b_r).reshape(N, H, HID)
    e_emb = (fused @ W_e).reshape(E, H, HID)
    m = xl[src] + xr[dst] + e_emb
    m = jax.nn.leaky_relu(m, 0.2)
    alpha = (m * att[None, :, :]).sum(axis=-1)  # [E, H]
    amax = jax.ops.segment_max(alpha, dst, num_segments=N)
    amax = jnp.where(jnp.isfinite(amax), amax, 0.0)
    ex = jnp.exp(alpha - amax[dst])
    denom = jax.ops.segment_sum(ex, dst, num_segments=N)
    alpha_n = ex / (denom[dst] + 1e-16)
    msg = xl[src] * alpha_n[:, :, None]  # [E, H, HID]
    out = jax.ops.segment_sum(msg, dst, num_segments=N)  # [N, H, HID]
    out = out.mean(axis=1) + bias  # concat=False -> head mean, then bias
    # final linear + softmax over nodes
    scores = (out @ lin_W + lin_b).squeeze(-1)
    weights = jax.nn.softmax(scores, axis=0)
    return weights

if __name__ == "__main__":
    import jax
    _d = setup_inputs()
    print(jax.jit(kernel)(*tuple(_d.values())))

</pallas_src>

<mosaic_0001>
#map = affine_map<(d0, d1) -> (0, 0)>
#map1 = affine_map<(d0, d1) -> (0)>
module attributes {stable_mosaic.version = 14 : i64} {
  func.func @_sc_body(%arg0: i32, %arg1: i32, %arg2: memref<10000x512xf32, #tpu.memory_space<hbm>>, %arg3: memref<10000x384xf32, #tpu.memory_space<hbm>>, %arg4: memref<320000xi32, #tpu.memory_space<hbm>>, %arg5: memref<320000xi32, #tpu.memory_space<hbm>>, %arg6: memref<320000x16xf32, #tpu.memory_space<hbm>>, %arg7: memref<3x128xf32, #tpu.memory_space<hbm>>, %arg8: memref<3x128xf32, #tpu.memory_space<hbm>>, %arg9: memref<20480x16xf32, #tpu.memory_space<hbm>>, %arg10: memref<80xi32, #tpu.memory_space<vmem>>, %arg11: memref<80xi32, #tpu.memory_space<vmem>>, %arg12: memref<80x16xf32, #tpu.memory_space<vmem>>, %arg13: memref<80x512xf32, #tpu.memory_space<vmem>>, %arg14: memref<80x384xf32, #tpu.memory_space<vmem>>, %arg15: memref<80x16xf32, #tpu.memory_space<vmem>>, %arg16: memref<3x128xf32, #tpu.memory_space<vmem>>, %arg17: memref<3x128xf32, #tpu.memory_space<vmem>>, %arg18: memref<640x16xf32, #tpu.memory_space<vmem>>, %arg19: memref<10240x16xf32, #tpu.memory_space<vmem_shared>>, %arg20: memref<!tpu.dma_semaphore, #tpu.memory_space<semaphore_mem>>, %arg21: memref<!tpu.dma_semaphore, #tpu.memory_space<semaphore_mem>>) attributes {dimension_semantics = [#tpu.dimension_semantics<core_parallel>, #tpu.dimension_semantics<subcore_parallel>], iteration_bounds = array<i64: 2, 16>, scalar_prefetch = 0 : i64, scratch_operands = 12 : i64, tpu.core_type = #tpu.core_type<sc_vector_subcore>, window_params = [{transform_indices = #map}, {transform_indices = #map}, {transform_indices = #map1}, {transform_indices = #map1}, {transform_indices = #map}, {transform_indices = #map}, {transform_indices = #map}, {transform_indices = #map}]} {
    %mul3A = arith.constant 16 : i32
    %mul3A_0 = arith.muli %arg0, %mul3A : i32
    %add3A = arith.addi %mul3A_0, %arg1 : i32
    %broadcast_in_dim3A = arith.constant 0.000000e+00 : f32
    %broadcast_in_dim3A_1 = vector.broadcast %broadcast_in_dim3A : f32 to vector<16xf32>
    %scan3A = arith.constant 0 : i32
    %scan3A_2 = arith.constant 0 : i32
    %scan3A_3 = arith.constant 640 : i32
    %scan3A_4 = arith.addi %scan3A_2, %scan3A_3 : i32
    %scan3A_5 = arith.constant 1 : i32
    scf.for %scan3A_89 = %scan3A_2 to %scan3A_4 step %scan3A_5  : i32 {
      %swap3A = arith.index_cast %scan3A_89 : i32 to index
      %swap3A_90 = arith.constant 0 : index
      %swap3A_91 = tpu.vector_load %arg18[%swap3A, %swap3A_90] {strides = array<i32>} : memref<640x16xf32, #tpu.memory_space<vmem>>, vector<16xf32>,
      tpu.vector_store %arg18[%swap3A, %swap3A_90], %broadcast_in_dim3A_1 {strides = array<i32>} : memref<640x16xf32, #tpu.memory_space<vmem>>, vector<16xf32>,
    }
    %scan3A_6 = arith.constant 640 : i32
    %mul3A_7 = arith.constant 640 : i32
    %mul3A_8 = arith.muli %arg1, %mul3A_7 : i32
    "tpu.region"() ({
      %run_scoped3A = tpu.sem_alloc : memref<!tpu.dma_semaphore, #tpu.memory_space<semaphore_mem>>
      %dma_start3A = arith.constant 0 : i32
      %dma_start3A_89 = tpu.memref_slice %arg19[%mul3A_8, %dma_start3A] : memref<10240x16xf32, #tpu.memory_space<vmem_shared>> -> memref<640x16xf32, #tpu.memory_space<vmem_shared>>
      %dma_start3A_90 = arith.constant 0 : i32
      %dma_start3A_91 = tpu.memref_slice %arg19[%mul3A_8, %dma_start3A_90] : memref<10240x16xf32, #tpu.memory_space<vmem_shared>> -> memref<640x16xf32, #tpu.memory_space<vmem_shared>>
      tpu.enqueue_dma source(%arg18 : memref<640x16xf32, #tpu.memory_space<vmem>>) target(%dma_start3A_91 : memref<640x16xf32, #tpu.memory_space<vmem_shared>>) target_semaphore(%run_scoped3A : memref<!tpu.dma_semaphore, #tpu.memory_space<semaphore_mem>>)
      %dma_wait3A = arith.constant 0 : i32
      %dma_wait3A_92 = tpu.memref_slice %arg19[%mul3A_8, %dma_wait3A] : memref<10240x16xf32, #tpu.memory_space<vmem_shared>> -> memref<640x16xf32, #tpu.memory_space<vmem_shared>>
      %dma_wait3A_93 = arith.constant 0 : i32
      %dma_wait3A_94 = tpu.memref_slice %arg19[%mul3A_8, %dma_wait3A_93] : memref<10240x16xf32, #tpu.memory_space<vmem_shared>> -> memref<640x16xf32, #tpu.memory_space<vmem_shared>>
      tpu.wait_dma2 semaphore(%run_scoped3A : memref<!tpu.dma_semaphore, #tpu.memory_space<semaphore_mem>>) src(%arg18 : memref<640x16xf32, #tpu.memory_space<vmem>>) dst(%dma_wait3A_94 : memref<640x16xf32, #tpu.memory_space<vmem_shared>>)
      tpu.yield
    }) : () -> ()
    "tpu.region"() ({
      %run_scoped3A = tpu.sem_alloc : memref<!tpu.dma_semaphore, #tpu.memory_space<semaphore_mem>>
      tpu.enqueue_dma source(%arg7 : memref<3x128xf32, #tpu.memory_space<hbm>>) target(%arg16 : memref<3x128xf32, #tpu.memory_space<vmem>>) target_semaphore(%run_scoped3A : memref<!tpu.dma_semaphore, #tpu.memory_space<semaphore_mem>>)
      tpu.wait_dma2 semaphore(%run_scoped3A : memref<!tpu.dma_semaphore, #tpu.memory_space<semaphore_mem>>) src(%arg7 : memref<3x128xf32, #tpu.memory_space<hbm>>) dst(%arg16 : memref<3x128xf32, #tpu.memory_space<vmem>>)
      tpu.yield
    }) : () -> ()
    "tpu.region"() ({
      %run_scoped3A = tpu.sem_alloc : memref<!tpu.dma_semaphore, #tpu.memory_space<semaphore_mem>>
      tpu.enqueue_dma source(%arg8 : memref<3x128xf32, #tpu.memory_space<hbm>>) target(%arg17 : memref<3x128xf32, #tpu.memory_space<vmem>>) target_semaphore(%run_scoped3A : memref<!tpu.dma_semaphore, #tpu.memory_space<semaphore_mem>>)
      tpu.wait_dma2 semaphore(%run_scoped3A : memref<!tpu.dma_semaphore, #tpu.memory_space<semaphore_mem>>) src(%arg8 : memref<3x128xf32, #tpu.memory_space<hbm>>) dst(%arg17 : memref<3x128xf32, #tpu.memory_space<vmem>>)
      tpu.yield
    }) : () -> ()
    %barrier3A = arith.constant 0 : index
    tpu.barrier barrier_id(%barrier3A)
    %iota3A = tpu.iota {dimensions = array<i32: 0>} : vector<16xi32>
    %eq3A = arith.constant 0 : i32
    %eq3A_9 = vector.broadcast %eq3A : i32 to vector<16xi32>
    %eq3A_10 = arith.cmpi eq, %iota3A, %eq3A_9 : vector<16xi32>
    %eq3A_11 = arith.constant 3 : i32
    %eq3A_12 = vector.broadcast %eq3A_11 : i32 to vector<16xi32>
    %eq3A_13 = arith.cmpi eq, %iota3A, %eq3A_12 : vector<16xi32>
    %or3A = arith.ori %eq3A_10, %eq3A_13 : vector<16xi1>
    %jit3A = arith.constant 1.000000e+00 : f32
    %jit3A_14 = arith.constant 0.000000e+00 : f32
    %broadcast_in_dim3A_15 = vector.broadcast %jit3A : f32 to vector<16xf32>
    %broadcast_in_dim3A_16 = vector.broadcast %jit3A_14 : f32 to vector<16xf32>
    %select_n3A = arith.select %or3A, %broadcast_in_dim3A_15, %broadcast_in_dim3A_16 : vector<16xi1>, vector<16xf32>
    %eq3A_17 = arith.constant 1 : i32
    %eq3A_18 = vector.broadcast %eq3A_17 : i32 to vector<16xi32>
    %eq3A_19 = arith.cmpi eq, %iota3A, %eq3A_18 : vector<16xi32>
    %eq3A_20 = arith.constant 4 : i32
    %eq3A_21 = vector.broadcast %eq3A_20 : i32 to vector<16xi32>
    %eq3A_22 = arith.cmpi eq, %iota3A, %eq3A_21 : vector<16xi32>
    %or3A_23 = arith.ori %eq3A_19, %eq3A_22 : vector<16xi1>
    %jit3A_24 = arith.constant 1.000000e+00 : f32
    %jit3A_25 = arith.constant 0.000000e+00 : f32
    %broadcast_in_dim3A_26 = vector.broadcast %jit3A_24 : f32 to vector<16xf32>
    %broadcast_in_dim3A_27 = vector.broadcast %jit3A_25 : f32 to vector<16xf32>
    %select_n3A_28 = arith.select %or3A_23, %broadcast_in_dim3A_26, %broadcast_in_dim3A_27 : vector<16xi1>, vector<16xf32>
    %eq3A_29 = arith.constant 2 : i32
    %eq3A_30 = vector.broadcast %eq3A_29 : i32 to vector<16xi32>
    %eq3A_31 = arith.cmpi eq, %iota3A, %eq3A_30 : vector<16xi32>
    %eq3A_32 = arith.constant 5 : i32
    %eq3A_33 = vector.broadcast %eq3A_32 : i32 to vector<16xi32>
    %eq3A_34 = arith.cmpi eq, %iota3A, %eq3A_33 : vector<16xi32>
    %or3A_35 = arith.ori %eq3A_31, %eq3A_34 : vector<16xi1>
    %jit3A_36 = arith.constant 1.000000e+00 : f32
    %jit3A_37 = arith.constant 0.000000e+00 : f32
    %broadcast_in_dim3A_38 = vector.broadcast %jit3A_36 : f32 to vector<16xf32>
    %broadcast_in_dim3A_39 = vector.broadcast %jit3A_37 : f32 to vector<16xf32>
    %select_n3A_40 = arith.select %or3A_35, %broadcast_in_dim3A_38, %broadcast_in_dim3A_39 : vector<16xi1>, vector<16xf32>
    %eq3A_41 = arith.constant 3 : i32
    %eq3A_42 = vector.broadcast %eq3A_41 : i32 to vector<16xi32>
    %eq3A_43 = arith.cmpi eq, %iota3A, %eq3A_42 : vector<16xi32>
    %jit3A_44 = arith.constant 1.000000e+00 : f32
    %jit3A_45 = arith.constant 0.000000e+00 : f32
    %broadcast_in_dim3A_46 = vector.broadcast %jit3A_44 : f32 to vector<16xf32>
    %broadcast_in_dim3A_47 = vector.broadcast %jit3A_45 : f32 to vector<16xf32>
    %select_n3A_48 = arith.select %eq3A_43, %broadcast_in_dim3A_46, %broadcast_in_dim3A_47 : vector<16xi1>, vector<16xf32>
    %eq3A_49 = arith.constant 4 : i32
    %eq3A_50 = vector.broadcast %eq3A_49 : i32 to vector<16xi32>
    %eq3A_51 = arith.cmpi eq, %iota3A, %eq3A_50 : vector<16xi32>
    %jit3A_52 = arith.constant 1.000000e+00 : f32
    %jit3A_53 = arith.constant 0.000000e+00 : f32
    %broadcast_in_dim3A_54 = vector.broadcast %jit3A_52 : f32 to vector<16xf32>
    %broadcast_in_dim3A_55 = vector.broadcast %jit3A_53 : f32 to vector<16xf32>
    %select_n3A_56 = arith.select %eq3A_51, %broadcast_in_dim3A_54, %broadcast_in_dim3A_55 : vector<16xi1>, vector<16xf32>
    %eq3A_57 = arith.constant 5 : i32
    %eq3A_58 = vector.broadcast %eq3A_57 : i32 to vector<16xi32>
    %eq3A_59 = arith.cmpi eq, %iota3A, %eq3A_58 : vector<16xi32>
    %jit3A_60 = arith.constant 1.000000e+00 : f32
    %jit3A_61 = arith.constant 0.000000e+00 : f32
    %broadcast_in_dim3A_62 = vector.broadcast %jit3A_60 : f32 to vector<16xf32>
    %broadcast_in_dim3A_63 = vector.broadcast %jit3A_61 : f32 to vector<16xf32>
    %select_n3A_64 = arith.select %eq3A_59, %broadcast_in_dim3A_62, %broadcast_in_dim3A_63 : vector<16xi1>, vector<16xf32>
    %lt3A = arith.constant 3 : i32
    %lt3A_65 = vector.broadcast %lt3A : i32 to vector<16xi32>
    %lt3A_66 = arith.cmpi slt, %iota3A, %lt3A_65 : vector<16xi32>
    %jit3A_67 = arith.constant 1.000000e+00 : f32
    %jit3A_68 = arith.constant 0.000000e+00 : f32
    %broadcast_in_dim3A_69 = vector.broadcast %jit3A_67 : f32 to vector<16xf32>
    %broadcast_in_dim3A_70 = vector.broadcast %jit3A_68 : f32 to vector<16xf32>
    %select_n3A_71 = arith.select %lt3A_66, %broadcast_in_dim3A_69, %broadcast_in_dim3A_70 : vector<16xi1>, vector<16xf32>
    %mul3A_72 = arith.constant 10000 : i32
    %mul3A_73 = arith.muli %add3A, %mul3A_72 : i32
    %scan3A_74 = arith.constant 0 : i32
    %scan3A_75 = arith.constant 0.000000e+00 : f32
    %scan3A_76 = arith.constant 0 : i32
    %scan3A_77 = arith.constant 125 : i32
    %scan3A_78 = arith.addi %scan3A_76, %scan3A_77 : i32
    %scan3A_79 = arith.constant 1 : i32
    scf.for %scan3A_89 = %scan3A_76 to %scan3A_78 step %scan3A_79  : i32 {
      %mul3A_90 = arith.constant 80 : i32
      %mul3A_91 = arith.muli %scan3A_89, %mul3A_90 : i32
      %add3A_92 = arith.addi %mul3A_73, %mul3A_91 : i32
      "tpu.region"() ({
        %run_scoped3A = tpu.sem_alloc : memref<!tpu.dma_semaphore, #tpu.memory_space<semaphore_mem>>
        %dma_start3A_109 = tpu.memref_slice %arg4[%add3A_92] : memref<320000xi32, #tpu.memory_space<hbm>> -> memref<80xi32, #tpu.memory_space<hbm>>
        %dma_start3A_110 = tpu.memref_slice %arg4[%add3A_92] : memref<320000xi32, #tpu.memory_space<hbm>> -> memref<80xi32, #tpu.memory_space<hbm>>
        tpu.enqueue_dma source(%dma_start3A_110 : memref<80xi32, #tpu.memory_space<hbm>>) target(%arg10 : memref<80xi32, #tpu.memory_space<vmem>>) target_semaphore(%run_scoped3A : memref<!tpu.dma_semaphore, #tpu.memory_space<semaphore_mem>>)
        %dma_wait3A_111 = tpu.memref_slice %arg4[%add3A_92] : memref<320000xi32, #tpu.memory_space<hbm>> -> memref<80xi32, #tpu.memory_space<hbm>>
        %dma_wait3A_112 = tpu.memref_slice %arg4[%add3A_92] : memref<320000xi32, #tpu.memory_space<hbm>> -> memref<80xi32, #tpu.memory_space<hbm>>
        tpu.wait_dma2 semaphore(%run_scoped3A : memref<!tpu.dma_semaphore, #tpu.memory_space<semaphore_mem>>) src(%dma_wait3A_112 : memref<80xi32, #tpu.memory_space<hbm>>) dst(%arg10 : memref<80xi32, #tpu.memory_space<vmem>>)
        tpu.yield
      }) : () -> ()
      "tpu.region"() ({
        %run_scoped3A = tpu.sem_alloc : memref<!tpu.dma_semaphore, #tpu.memory_space<semaphore_mem>>
        %dma_start3A_109 = tpu.memref_slice %arg5[%add3A_92] : memref<320000xi32, #tpu.memory_space<hbm>> -> memref<80xi32, #tpu.memory_space<hbm>>
        %dma_start3A_110 = tpu.memref_slice %arg5[%add3A_92] : memref<320000xi32, #tpu.memory_space<hbm>> -> memref<80xi32, #tpu.memory_space<hbm>>
        tpu.enqueue_dma source(%dma_start3A_110 : memref<80xi32, #tpu.memory_space<hbm>>) target(%arg11 : memref<80xi32, #tpu.memory_space<vmem>>) target_semaphore(%run_scoped3A : memref<!tpu.dma_semaphore, #tpu.memory_space<semaphore_mem>>)
        %dma_wait3A_111 = tpu.memref_slice %arg5[%add3A_92] : memref<320000xi32, #tpu.memory_space<hbm>> -> memref<80xi32, #tpu.memory_space<hbm>>
        %dma_wait3A_112 = tpu.memref_slice %arg5[%add3A_92] : memref<320000xi32, #tpu.memory_space<hbm>> -> memref<80xi32, #tpu.memory_space<hbm>>
        tpu.wait_dma2 semaphore(%run_scoped3A : memref<!tpu.dma_semaphore, #tpu.memory_space<semaphore_mem>>) src(%dma_wait3A_112 : memref<80xi32, #tpu.memory_space<hbm>>) dst(%arg11 : memref<80xi32, #tpu.memory_space<vmem>>)
        tpu.yield
      }) : () -> ()
      "tpu.region"() ({
        %run_scoped3A = tpu.sem_alloc : memref<!tpu.dma_semaphore, #tpu.memory_space<semaphore_mem>>
        %dma_start3A_109 = arith.constant 0 : i32
        %dma_start3A_110 = tpu.memref_slice %arg6[%add3A_92, %dma_start3A_109] : memref<320000x16xf32, #tpu.memory_space<hbm>> -> memref<80x16xf32, #tpu.memory_space<hbm>>
        %dma_start3A_111 = arith.constant 0 : i32
        %dma_start3A_112 = tpu.memref_slice %arg6[%add3A_92, %dma_start3A_111] : memref<320000x16xf32, #tpu.memory_space<hbm>> -> memref<80x16xf32, #tpu.memory_space<hbm>>
        tpu.enqueue_dma source(%dma_start3A_112 : memref<80x16xf32, #tpu.memory_space<hbm>>) target(%arg12 : memref<80x16xf32, #tpu.memory_space<vmem>>) target_semaphore(%run_scoped3A : memref<!tpu.dma_semaphore, #tpu.memory_space<semaphore_mem>>)
        %dma_wait3A_113 = arith.constant 0 : i32
        %dma_wait3A_114 = tpu.memref_slice %arg6[%add3A_92, %dma_wait3A_113] : memref<320000x16xf32, #tpu.memory_space<hbm>> -> memref<80x16xf32, #tpu.memory_space<hbm>>
        %dma_wait3A_115 = arith.constant 0 : i32
        %dma_wait3A_116 = tpu.memref_slice %arg6[%add3A_92, %dma_wait3A_115] : memref<320000x16xf32, #tpu.memory_space<hbm>> -> memref<80x16xf32, #tpu.memory_space<hbm>>
        tpu.wait_dma2 semaphore(%run_scoped3A : memref<!tpu.dma_semaphore, #tpu.memory_space<semaphore_mem>>) src(%dma_wait3A_116 : memref<80x16xf32, #tpu.memory_space<hbm>>) dst(%arg12 : memref<80x16xf32, #tpu.memory_space<vmem>>)
        tpu.yield
      }) : () -> ()
      %dma_start3A = arith.constant 0 : i32
      %dma_start3A_93 = arith.constant 0 : i32
      %dma_start3A_94 = tpu.memref_slice %arg2[%dma_start3A, %dma_start3A_93] : memref<10000x512xf32, #tpu.memory_space<hbm>> -> memref<10000x512xf32, #tpu.memory_space<hbm>>
      tpu.enqueue_indirect_dma source(%dma_start3A_94 : memref<10000x512xf32, #tpu.memory_space<hbm>>) target(%arg13 : memref<80x512xf32, #tpu.memory_space<vmem>>) offsets(%arg10 : memref<80xi32, #tpu.memory_space<vmem>>) semaphore(%arg20 : memref<!tpu.dma_semaphore, #tpu.memory_space<semaphore_mem>>)
      %dma_start3A_95 = arith.constant 0 : i32
      %dma_start3A_96 = arith.constant 0 : i32
      %dma_start3A_97 = tpu.memref_slice %arg3[%dma_start3A_95, %dma_start3A_96] : memref<10000x384xf32, #tpu.memory_space<hbm>> -> memref<10000x384xf32, #tpu.memory_space<hbm>>
      tpu.enqueue_indirect_dma source(%dma_start3A_97 : memref<10000x384xf32, #tpu.memory_space<hbm>>) target(%arg14 : memref<80x384xf32, #tpu.memory_space<vmem>>) offsets(%arg11 : memref<80xi32, #tpu.memory_space<vmem>>) semaphore(%arg21 : memref<!tpu.dma_semaphore, #tpu.memory_space<semaphore_mem>>)
      %dma_wait3A = arith.constant 0 : i32
      %dma_wait3A_98 = arith.constant 0 : i32
      %dma_wait3A_99 = tpu.memref_slice %arg2[%dma_wait3A, %dma_wait3A_98] : memref<10000x512xf32, #tpu.memory_space<hbm>> -> memref<10000x512xf32, #tpu.memory_space<hbm>>
      tpu.wait_indirect_dma semaphore(%arg20 : memref<!tpu.dma_semaphore, #tpu.memory_space<semaphore_mem>>) src(%dma_wait3A_99 : memref<10000x512xf32, #tpu.memory_space<hbm>>) dst(%arg13 : memref<80x512xf32, #tpu.memory_space<vmem>>)
      %dma_wait3A_100 = arith.constant 0 : i32
      %dma_wait3A_101 = arith.constant 0 : i32
      %dma_wait3A_102 = tpu.memref_slice %arg3[%dma_wait3A_100, %dma_wait3A_101] : memref<10000x384xf32, #tpu.memory_space<hbm>> -> memref<10000x384xf32, #tpu.memory_space<hbm>>
      tpu.wait_indirect_dma semaphore(%arg21 : memref<!tpu.dma_semaphore, #tpu.memory_space<semaphore_mem>>) src(%dma_wait3A_102 : memref<10000x384xf32, #tpu.memory_space<hbm>>) dst(%arg14 : memref<80x384xf32, #tpu.memory_space<vmem>>)
      %scan3A_103 = arith.constant 0 : i32
      %scan3A_104 = arith.constant 0 : i32
      %scan3A_105 = arith.constant 80 : i32
      %scan3A_106 = arith.addi %scan3A_104, %scan3A_105 : i32
      %scan3A_107 = arith.constant 1 : i32
      scf.for %scan3A_109 = %scan3A_104 to %scan3A_106 step %scan3A_107  : i32 {
        %get3A = arith.index_cast %scan3A_109 : i32 to index
        %get3A_110 = arith.constant 0 : index
        %get3A_111 = tpu.vector_load %arg12[%get3A, %get3A_110] {strides = array<i32>} : memref<80x16xf32, #tpu.memory_space<vmem>>, vector<16xf32>,
        %get3A_112 = arith.index_cast %scan3A_109 : i32 to index
        %get3A_113 = arith.constant 0 : index
        %get3A_114 = tpu.vector_load %arg13[%get3A_112, %get3A_113] {strides = array<i32>} : memref<80x512xf32, #tpu.memory_space<vmem>>, vector<16xf32>,
        %get3A_115 = arith.index_cast %scan3A_109 : i32 to index
        %get3A_116 = arith.constant 0 : index
        %get3A_117 = tpu.vector_load %arg14[%get3A_115, %get3A_116] {strides = array<i32>} : memref<80x384xf32, #tpu.memory_space<vmem>>, vector<16xf32>,
        %add3A_118 = arith.addf %get3A_114, %get3A_117 : vector<16xf32>
        %get3A_119 = arith.constant 0 : i32
        %get3A_120 = arith.index_cast %get3A_119 : i32 to index
        %get3A_121 = arith.constant 0 : index
        %get3A_122 = tpu.vector_load %arg16[%get3A_120, %get3A_121] {strides = array<i32>} : memref<3x128xf32, #tpu.memory_space<vmem>>, vector<16xf32>,
        %mul3A_123 = arith.mulf %get3A_111, %get3A_122 : vector<16xf32>
        %add3A_124 = arith.addf %add3A_118, %mul3A_123 : vector<16xf32>
        %ge3A = vector.broadcast %scan3A_75 : f32 to vector<16xf32>
        %ge3A_125 = arith.cmpf oge, %add3A_124, %ge3A : vector<16xf32>
        %mul3A_126 = arith.constant 2.000000e-01 : f32
        %mul3A_127 = vector.broadcast %mul3A_126 : f32 to vector<16xf32>
        %mul3A_128 = arith.mulf %add3A_124, %mul3A_127 : vector<16xf32>
        %select_n3A_129 = arith.select %ge3A_125, %add3A_124, %mul3A_128 : vector<16xi1>, vector<16xf32>
        %get3A_130 = arith.constant 0 : i32
        %get3A_131 = arith.index_cast %get3A_130 : i32 to index
        %get3A_132 = arith.constant 0 : index
        %get3A_133 = tpu.vector_load %arg17[%get3A_131, %get3A_132] {strides = array<i32>} : memref<3x128xf32, #tpu.memory_space<vmem>>, vector<16xf32>,
        %mul3A_134 = arith.mulf %select_n3A_129, %get3A_133 : vector<16xf32>
        %get3A_135 = arith.index_cast %scan3A_109 : i32 to index
        %get3A_136 = arith.constant 16 : index
        %get3A_137 = tpu.vector_load %arg13[%get3A_135, %get3A_136] {strides = array<i32>} : memref<80x512xf32, #tpu.memory_space<vmem>>, vector<16xf32>,
        %get3A_138 = arith.index_cast %scan3A_109 : i32 to index
        %get3A_139 = arith.constant 16 : index
        %get3A_140 = tpu.vector_load %arg14[%get3A_138, %get3A_139] {strides = array<i32>} : memref<80x384xf32, #tpu.memory_space<vmem>>, vector<16xf32>,
        %add3A_141 = arith.addf %get3A_137, %get3A_140 : vector<16xf32>
        %get3A_142 = arith.constant 0 : i32
        %get3A_143 = arith.index_cast %get3A_142 : i32 to index
        %get3A_144 = arith.constant 16 : index
        %get3A_145 = tpu.vector_load %arg16[%get3A_143, %get3A_144] {strides = array<i32>} : memref<3x128xf32, #tpu.memory_space<vmem>>, vector<16xf32>,
        %mul3A_146 = arith.mulf %get3A_111, %get3A_145 : vector<16xf32>
        %add3A_147 = arith.addf %add3A_141, %mul3A_146 : vector<16xf32>
        %ge3A_148 = vector.broadcast %scan3A_75 : f32 to vector<16xf32>
        %ge3A_149 = arith.cmpf oge, %add3A_147, %ge3A_148 : vector<16xf32>
        %mul3A_150 = arith.constant 2.000000e-01 : f32
        %mul3A_151 = vector.broadcast %mul3A_150 : f32 to vector<16xf32>
        %mul3A_152 = arith.mulf %add3A_147, %mul3A_151 : vector<16xf32>
        %select_n3A_153 = arith.select %ge3A_149, %add3A_147, %mul3A_152 : vector<16xi1>, vector<16xf32>
        %get3A_154 = arith.constant 0 : i32
        %get3A_155 = arith.index_cast %get3A_154 : i32 to index
        %get3A_156 = arith.constant 16 : index
        %get3A_157 = tpu.vector_load %arg17[%get3A_155, %get3A_156] {strides = array<i32>} : memref<3x128xf32, #tpu.memory_space<vmem>>, vector<16xf32>,
        %mul3A_158 = arith.mulf %select_n3A_153, %get3A_157 : vector<16xf32>
        %add3A_159 = arith.addf %mul3A_134, %mul3A_158 : vector<16xf32>
        %get3A_160 = arith.index_cast %scan3A_109 : i32 to index
        %get3A_161 = arith.constant 32 : index
        %get3A_162 = tpu.vector_load %arg13[%get3A_160, %get3A_161] {strides = array<i32>} : memref<80x512xf32, #tpu.memory_space<vmem>>, vector<16xf32>,
        %get3A_163 = arith.index_cast %scan3A_109 : i32 to index
        %get3A_164 = arith.constant 32 : index
        %get3A_165 = tpu.vector_load %arg14[%get3A_163, %get3A_164] {strides = array<i32>} : memref<80x384xf32, #tpu.memory_space<vmem>>, vector<16xf32>,
        %add3A_166 = arith.addf %get3A_162, %get3A_165 : vector<16xf32>
        %get3A_167 = arith.constant 0 : i32
        %get3A_168 = arith.index_cast %get3A_167 : i32 to index
        %get3A_169 = arith.constant 32 : index
        %get3A_170 = tpu.vector_load %arg16[%get3A_168, %get3A_169] {strides = array<i32>} : memref<3x128xf32, #tpu.memory_space<vmem>>, vector<16xf32>,
        %mul3A_171 = arith.mulf %get3A_111, %get3A_170 : vector<16xf32>
        %add3A_172 = arith.addf %add3A_166, %mul3A_171 : vector<16xf32>
        %ge3A_173 = vector.broadcast %scan3A_75 : f32 to vector<16xf32>
        %ge3A_174 = arith.cmpf oge, %add3A_172, %ge3A_173 : vector<16xf32>
        %mul3A_175 = arith.constant 2.000000e-01 : f32
        %mul3A_176 = vector.broadcast %mul3A_175 : f32 to vector<16xf32>
        %mul3A_177 = arith.mulf %add3A_172, %mul3A_176 : vector<16xf32>
        %select_n3A_178 = arith.select %ge3A_174, %add3A_172, %mul3A_177 : vector<16xi1>, vector<16xf32>
        %get3A_179 = arith.constant 0 : i32
        %get3A_180 = arith.index_cast %get3A_179 : i32 to index
        %get3A_181 = arith.constant 32 : index
        %get3A_182 = tpu.vector_load %arg17[%get3A_180, %get3A_181] {strides = array<i32>} : memref<3x128xf32, #tpu.memory_space<vmem>>, vector<16xf32>,
        %mul3A_183 = arith.mulf %select_n3A_178, %get3A_182 : vector<16xf32>
        %add3A_184 = arith.addf %add3A_159, %mul3A_183 : vector<16xf32>
        %get3A_185 = arith.index_cast %scan3A_109 : i32 to index
        %get3A_186 = arith.constant 48 : index
        %get3A_187 = tpu.vector_load %arg13[%get3A_185, %get3A_186] {strides = array<i32>} : memref<80x512xf32, #tpu.memory_space<vmem>>, vector<16xf32>,
        %get3A_188 = arith.index_cast %scan3A_109 : i32 to index
        %get3A_189 = arith.constant 48 : index
        %get3A_190 = tpu.vector_load %arg14[%get3A_188, %get3A_189] {strides = array<i32>} : memref<80x384xf32, #tpu.memory_space<vmem>>, vector<16xf32>,
        %add3A_191 = arith.addf %get3A_187, %get3A_190 : vector<16xf32>
        %get3A_192 = arith.constant 0 : i32
        %get3A_193 = arith.index_cast %get3A_192 : i32 to index
        %get3A_194 = arith.constant 48 : index
        %get3A_195 = tpu.vector_load %arg16[%get3A_193, %get3A_194] {strides = array<i32>} : memref<3x128xf32, #tpu.memory_space<vmem>>, vector<16xf32>,
        %mul3A_196 = arith.mulf %get3A_111, %get3A_195 : vector<16xf32>
        %add3A_197 = arith.addf %add3A_191, %mul3A_196 : vector<16xf32>
        %ge3A_198 = vector.broadcast %scan3A_75 : f32 to vector<16xf32>
        %ge3A_199 = arith.cmpf oge, %add3A_197, %ge3A_198 : vector<16xf32>
        %mul3A_200 = arith.constant 2.000000e-01 : f32
        %mul3A_201 = vector.broadcast %mul3A_200 : f32 to vector<16xf32>
        %mul3A_202 = arith.mulf %add3A_197, %mul3A_201 : vector<16xf32>
        %select_n3A_203 = arith.select %ge3A_199, %add3A_197, %mul3A_202 : vector<16xi1>, vector<16xf32>
        %get3A_204 = arith.constant 0 : i32
        %get3A_205 = arith.index_cast %get3A_204 : i32 to index
        %get3A_206 = arith.constant 48 : index
        %get3A_207 = tpu.vector_load %arg17[%get3A_205, %get3A_206] {strides = array<i32>} : memref<3x128xf32, #tpu.memory_space<vmem>>, vector<16xf32>,
        %mul3A_208 = arith.mulf %select_n3A_203, %get3A_207 : vector<16xf32>
        %add3A_209 = arith.addf %add3A_184, %mul3A_208 : vector<16xf32>
        %get3A_210 = arith.index_cast %scan3A_109 : i32 to index
        %get3A_211 = arith.constant 64 : index
        %get3A_212 = tpu.vector_load %arg13[%get3A_210, %get3A_211] {strides = array<i32>} : memref<80x512xf32, #tpu.memory_space<vmem>>, vector<16xf32>,
        %get3A_213 = arith.index_cast %scan3A_109 : i32 to index
        %get3A_214 = arith.constant 64 : index
        %get3A_215 = tpu.vector_load %arg14[%get3A_213, %get3A_214] {strides = array<i32>} : memref<80x384xf32, #tpu.memory_space<vmem>>, vector<16xf32>,
        %add3A_216 = arith.addf %get3A_212, %get3A_215 : vector<16xf32>
        %get3A_217 = arith.constant 0 : i32
        %get3A_218 = arith.index_cast %get3A_217 : i32 to index
        %get3A_219 = arith.constant 64 : index
        %get3A_220 = tpu.vector_load %arg16[%get3A_218, %get3A_219] {strides = array<i32>} : memref<3x128xf32, #tpu.memory_space<vmem>>, vector<16xf32>,
        %mul3A_221 = arith.mulf %get3A_111, %get3A_220 : vector<16xf32>
        %add3A_222 = arith.addf %add3A_216, %mul3A_221 : vector<16xf32>
        %ge3A_223 = vector.broadcast %scan3A_75 : f32 to vector<16xf32>
        %ge3A_224 = arith.cmpf oge, %add3A_222, %ge3A_223 : vector<16xf32>
        %mul3A_225 = arith.constant 2.000000e-01 : f32
        %mul3A_226 = vector.broadcast %mul3A_225 : f32 to vector<16xf32>
        %mul3A_227 = arith.mulf %add3A_222, %mul3A_226 : vector<16xf32>
        %select_n3A_228 = arith.select %ge3A_224, %add3A_222, %mul3A_227 : vector<16xi1>, vector<16xf32>
        %get3A_229 = arith.constant 0 : i32
        %get3A_230 = arith.index_cast %get3A_229 : i32 to index
        %get3A_231 = arith.constant 64 : index
        %get3A_232 = tpu.vector_load %arg17[%get3A_230, %get3A_231] {strides = array<i32>} : memref<3x128xf32, #tpu.memory_space<vmem>>, vector<16xf32>,
        %mul3A_233 = arith.mulf %select_n3A_228, %get3A_232 : vector<16xf32>
        %add3A_234 = arith.addf %add3A_209, %mul3A_233 : vector<16xf32>
        %get3A_235 = arith.index_cast %scan3A_109 : i32 to index
        %get3A_236 = arith.constant 80 : index
        %get3A_237 = tpu.vector_load %arg13[%get3A_235, %get3A_236] {strides = array<i32>} : memref<80x512xf32, #tpu.memory_space<vmem>>, vector<16xf32>,
        %get3A_238 = arith.index_cast %scan3A_109 : i32 to index
        %get3A_239 = arith.constant 80 : index
        %get3A_240 = tpu.vector_load %arg14[%get3A_238, %get3A_239] {strides = array<i32>} : memref<80x384xf32, #tpu.memory_space<vmem>>, vector<16xf32>,
        %add3A_241 = arith.addf %get3A_237, %get3A_240 : vector<16xf32>
        %get3A_242 = arith.constant 0 : i32
        %get3A_243 = arith.index_cast %get3A_242 : i32 to index
        %get3A_244 = arith.constant 80 : index
        %get3A_245 = tpu.vector_load %arg16[%get3A_243, %get3A_244] {strides = array<i32>} : memref<3x128xf32, #tpu.memory_space<vmem>>, vector<16xf32>,
        %mul3A_246 = arith.mulf %get3A_111, %get3A_245 : vector<16xf32>
        %add3A_247 = arith.addf %add3A_241, %mul3A_246 : vector<16xf32>
        %ge3A_248 = vector.broadcast %scan3A_75 : f32 to vector<16xf32>
        %ge3A_249 = arith.cmpf oge, %add3A_247, %ge3A_248 : vector<16xf32>
        %mul3A_250 = arith.constant 2.000000e-01 : f32
        %mul3A_251 = vector.broadcast %mul3A_250 : f32 to vector<16xf32>
        %mul3A_252 = arith.mulf %add3A_247, %mul3A_251 : vector<16xf32>
        %select_n3A_253 = arith.select %ge3A_249, %add3A_247, %mul3A_252 : vector<16xi1>, vector<16xf32>
        %get3A_254 = arith.constant 0 : i32
        %get3A_255 = arith.index_cast %get3A_254 : i32 to index
        %get3A_256 = arith.constant 80 : index
        %get3A_257 = tpu.vector_load %arg17[%get3A_255, %get3A_256] {strides = array<i32>} : memref<3x128xf32, #tpu.memory_space<vmem>>, vector<16xf32>,
        %mul3A_258 = arith.mulf %select_n3A_253, %get3A_257 : vector<16xf32>
        %add3A_259 = arith.addf %add3A_234, %mul3A_258 : vector<16xf32>
        %get3A_260 = arith.index_cast %scan3A_109 : i32 to index
        %get3A_261 = arith.constant 96 : index
        %get3A_262 = tpu.vector_load %arg13[%get3A_260, %get3A_261] {strides = array<i32>} : memref<80x512xf32, #tpu.memory_space<vmem>>, vector<16xf32>,
        %get3A_263 = arith.index_cast %scan3A_109 : i32 to index
        %get3A_264 = arith.constant 96 : index
        %get3A_265 = tpu.vector_load %arg14[%get3A_263, %get3A_264] {strides = array<i32>} : memref<80x384xf32, #tpu.memory_space<vmem>>, vector<16xf32>,
        %add3A_266 = arith.addf %get3A_262, %get3A_265 : vector<16xf32>
        %get3A_267 = arith.constant 0 : i32
        %get3A_268 = arith.index_cast %get3A_267 : i32 to index
        %get3A_269 = arith.constant 96 : index
        %get3A_270 = tpu.vector_load %arg16[%get3A_268, %get3A_269] {strides = array<i32>} : memref<3x128xf32, #tpu.memory_space<vmem>>, vector<16xf32>,
        %mul3A_271 = arith.mulf %get3A_111, %get3A_270 : vector<16xf32>
        %add3A_272 = arith.addf %add3A_266, %mul3A_271 : vector<16xf32>
        %ge3A_273 = vector.broadcast %scan3A_75 : f32 to vector<16xf32>
        %ge3A_274 = arith.cmpf oge, %add3A_272, %ge3A_273 : vector<16xf32>
        %mul3A_275 = arith.constant 2.000000e-01 : f32
        %mul3A_276 = vector.broadcast %mul3A_275 : f32 to vector<16xf32>
        %mul3A_277 = arith.mulf %add3A_272, %mul3A_276 : vector<16xf32>
        %select_n3A_278 = arith.select %ge3A_274, %add3A_272, %mul3A_277 : vector<16xi1>, vector<16xf32>
        %get3A_279 = arith.constant 0 : i32
        %get3A_280 = arith.index_cast %get3A_279 : i32 to index
        %get3A_281 = arith.constant 96 : index
        %get3A_282 = tpu.vector_load %arg17[%get3A_280, %get3A_281] {strides = array<i32>} : memref<3x128xf32, #tpu.memory_space<vmem>>, vector<16xf32>,
        %mul3A_283 = arith.mulf %select_n3A_278, %get3A_282 : vector<16xf32>
        %add3A_284 = arith.addf %add3A_259, %mul3A_283 : vector<16xf32>
        %get3A_285 = arith.index_cast %scan3A_109 : i32 to index
        %get3A_286 = arith.constant 112 : index
        %get3A_287 = tpu.vector_load %arg13[%get3A_285, %get3A_286] {strides = array<i32>} : memref<80x512xf32, #tpu.memory_space<vmem>>, vector<16xf32>,
        %get3A_288 = arith.index_cast %scan3A_109 : i32 to index
        %get3A_289 = arith.constant 112 : index
        %get3A_290 = tpu.vector_load %arg14[%get3A_288, %get3A_289] {strides = array<i32>} : memref<80x384xf32, #tpu.memory_space<vmem>>, vector<16xf32>,
        %add3A_291 = arith.addf %get3A_287, %get3A_290 : vector<16xf32>
        %get3A_292 = arith.constant 0 : i32
        %get3A_293 = arith.index_cast %get3A_292 : i32 to index
        %get3A_294 = arith.constant 112 : index
        %get3A_295 = tpu.vector_load %arg16[%get3A_293, %get3A_294] {strides = array<i32>} : memref<3x128xf32, #tpu.memory_space<vmem>>, vector<16xf32>,
        %mul3A_296 = arith.mulf %get3A_111, %get3A_295 : vector<16xf32>
        %add3A_297 = arith.addf %add3A_291, %mul3A_296 : vector<16xf32>
        %ge3A_298 = vector.broadcast %scan3A_75 : f32 to vector<16xf32>
        %ge3A_299 = arith.cmpf oge, %add3A_297, %ge3A_298 : vector<16xf32>
        %mul3A_300 = arith.constant 2.000000e-01 : f32
        %mul3A_301 = vector.broadcast %mul3A_300 : f32 to vector<16xf32>
        %mul3A_302 = arith.mulf %add3A_297, %mul3A_301 : vector<16xf32>
        %select_n3A_303 = arith.select %ge3A_299, %add3A_297, %mul3A_302 : vector<16xi1>, vector<16xf32>
        %get3A_304 = arith.constant 0 : i32
        %get3A_305 = arith.index_cast %get3A_304 : i32 to index
        %get3A_306 = arith.constant 112 : index
        %get3A_307 = tpu.vector_load %arg17[%get3A_305, %get3A_306] {strides = array<i32>} : memref<3x128xf32, #tpu.memory_space<vmem>>, vector<16xf32>,
        %mul3A_308 = arith.mulf %select_n3A_303, %get3A_307 : vector<16xf32>
        %add3A_309 = arith.addf %add3A_284, %mul3A_308 : vector<16xf32>
        %reduce_sum3A = arith.constant true
        %reduce_sum3A_310 = vector.broadcast %reduce_sum3A : i1 to vector<16xi1>
        %reduce_sum3A_311 = tpu.scan <sum>, %add3A_309 masked %reduce_sum3A_310 : vector<16xf32>, vector<16xi1> -> vector<16xf32>
        %reduce_sum3A_312 = vector.extract %reduce_sum3A_311[15] : f32 from vector<16xf32>
        %get3A_313 = arith.index_cast %scan3A_109 : i32 to index
        %get3A_314 = arith.constant 128 : index
        %get3A_315 = tpu.vector_load %arg13[%get3A_313, %get3A_314] {strides = array<i32>} : memref<80x512xf32, #tpu.memory_space<vmem>>, vector<16xf32>,
        %get3A_316 = arith.index_cast %scan3A_109 : i32 to index
        %get3A_317 = arith.constant 128 : index
        %get3A_318 = tpu.vector_load %arg14[%get3A_316, %get3A_317] {strides = array<i32>} : memref<80x384xf32, #tpu.memory_space<vmem>>, vector<16xf32>,
        %add3A_319 = arith.addf %get3A_315, %get3A_318 : vector<16xf32>
        %get3A_320 = arith.constant 1 : i32
        %get3A_321 = arith.index_cast %get3A_320 : i32 to index
        %get3A_322 = arith.constant 0 : index
        %get3A_323 = tpu.vector_load %arg16[%get3A_321, %get3A_322] {strides = array<i32>} : memref<3x128xf32, #tpu.memory_space<vmem>>, vector<16xf32>,
        %mul3A_324 = arith.mulf %get3A_111, %get3A_323 : vector<16xf32>
        %add3A_325 = arith.addf %add3A_319, %mul3A_324 : vector<16xf32>
        %ge3A_326 = vector.broadcast %scan3A_75 : f32 to vector<16xf32>
        %ge3A_327 = arith.cmpf oge, %add3A_325, %ge3A_326 : vector<16xf32>
        %mul3A_328 = arith.constant 2.000000e-01 : f32
        %mul3A_329 = vector.broadcast %mul3A_328 : f32 to vector<16xf32>
        %mul3A_330 = arith.mulf %add3A_325, %mul3A_329 : vector<16xf32>
        %select_n3A_331 = arith.select %ge3A_327, %add3A_325, %mul3A_330 : vector<16xi1>, vector<16xf32>
        %get3A_332 = arith.constant 1 : i32
        %get3A_333 = arith.index_cast %get3A_332 : i32 to index
        %get3A_334 = arith.constant 0 : index
        %get3A_335 = tpu.vector_load %arg17[%get3A_333, %get3A_334] {strides = array<i32>} : memref<3x128xf32, #tpu.memory_space<vmem>>, vector<16xf32>,
        %mul3A_336 = arith.mulf %select_n3A_331, %get3A_335 : vector<16xf32>
        %get3A_337 = arith.index_cast %scan3A_109 : i32 to index
        %get3A_338 = arith.constant 144 : index
        %get3A_339 = tpu.vector_load %arg13[%get3A_337, %get3A_338] {strides = array<i32>} : memref<80x512xf32, #tpu.memory_space<vmem>>, vector<16xf32>,
        %get3A_340 = arith.index_cast %scan3A_109 : i32 to index
        %get3A_341 = arith.constant 144 : index
        %get3A_342 = tpu.vector_load %arg14[%get3A_340, %get3A_341] {strides = array<i32>} : memref<80x384xf32, #tpu.memory_space<vmem>>, vector<16xf32>,
        %add3A_343 = arith.addf %get3A_339, %get3A_342 : vector<16xf32>
        %get3A_344 = arith.constant 1 : i32
        %get3A_345 = arith.index_cast %get3A_344 : i32 to index
        %get3A_346 = arith.constant 16 : index
        %get3A_347 = tpu.vector_load %arg16[%get3A_345, %get3A_346] {strides = array<i32>} : memref<3x128xf32, #tpu.memory_space<vmem>>, vector<16xf32>,
        %mul3A_348 = arith.mulf %get3A_111, %get3A_347 : vector<16xf32>
        %add3A_349 = arith.addf %add3A_343, %mul3A_348 : vector<16xf32>
        %ge3A_350 = vector.broadcast %scan3A_75 : f32 to vector<16xf32>
        %ge3A_351 = arith.cmpf oge, %add3A_349, %ge3A_350 : vector<16xf32>
        %mul3A_352 = arith.constant 2.000000e-01 : f32
        %mul3A_353 = vector.broadcast %mul3A_352 : f32 to vector<16xf32>
        %mul3A_354 = arith.mulf %add3A_349, %mul3A_353 : vector<16xf32>
        %select_n3A_355 = arith.select %ge3A_351, %add3A_349, %mul3A_354 : vector<16xi1>, vector<16xf32>
        %get3A_356 = arith.constant 1 : i32
        %get3A_357 = arith.index_cast %get3A_356 : i32 to index
        %get3A_358 = arith.constant 16 : index
        %get3A_359 = tpu.vector_load %arg17[%get3A_357, %get3A_358] {strides = array<i32>} : memref<3x128xf32, #tpu.memory_space<vmem>>, vector<16xf32>,
        %mul3A_360 = arith.mulf %select_n3A_355, %get3A_359 : vector<16xf32>
        %add3A_361 = arith.addf %mul3A_336, %mul3A_360 : vector<16xf32>
        %get3A_362 = arith.index_cast %scan3A_109 : i32 to index
        %get3A_363 = arith.constant 160 : index
        %get3A_364 = tpu.vector_load %arg13[%get3A_362, %get3A_363] {strides = array<i32>} : memref<80x512xf32, #tpu.memory_space<vmem>>, vector<16xf32>,
        %get3A_365 = arith.index_cast %scan3A_109 : i32 to index
        %get3A_366 = arith.constant 160 : index
        %get3A_367 = tpu.vector_load %arg14[%get3A_365, %get3A_366] {strides = array<i32>} : memref<80x384xf32, #tpu.memory_space<vmem>>, vector<16xf32>,
        %add3A_368 = arith.addf %get3A_364, %get3A_367 : vector<16xf32>
        %get3A_369 = arith.constant 1 : i32
        %get3A_370 = arith.index_cast %get3A_369 : i32 to index
        %get3A_371 = arith.constant 32 : index
        %get3A_372 = tpu.vector_load %arg16[%get3A_370, %get3A_371] {strides = array<i32>} : memref<3x128xf32, #tpu.memory_space<vmem>>, vector<16xf32>,
        %mul3A_373 = arith.mulf %get3A_111, %get3A_372 : vector<16xf32>
        %add3A_374 = arith.addf %add3A_368, %mul3A_373 : vector<16xf32>
        %ge3A_375 = vector.broadcast %scan3A_75 : f32 to vector<16xf32>
        %ge3A_376 = arith.cmpf oge, %add3A_374, %ge3A_375 : vector<16xf32>
        %mul3A_377 = arith.constant 2.000000e-01 : f32
        %mul3A_378 = vector.broadcast %mul3A_377 : f32 to vector<16xf32>
        %mul3A_379 = arith.mulf %add3A_374, %mul3A_378 : vector<16xf32>
        %select_n3A_380 = arith.select %ge3A_376, %add3A_374, %mul3A_379 : vector<16xi1>, vector<16xf32>
        %get3A_381 = arith.constant 1 : i32
        %get3A_382 = arith.index_cast %get3A_381 : i32 to index
        %get3A_383 = arith.constant 32 : index
        %get3A_384 = tpu.vector_load %arg17[%get3A_382, %get3A_383] {strides = array<i32>} : memref<3x128xf32, #tpu.memory_space<vmem>>, vector<16xf32>,
        %mul3A_385 = arith.mulf %select_n3A_380, %get3A_384 : vector<16xf32>
        %add3A_386 = arith.addf %add3A_361, %mul3A_385 : vector<16xf32>
        %get3A_387 = arith.index_cast %scan3A_109 : i32 to index
        %get3A_388 = arith.constant 176 : index
        %get3A_389 = tpu.vector_load %arg13[%get3A_387, %get3A_388] {strides = array<i32>} : memref<80x512xf32, #tpu.memory_space<vmem>>, vector<16xf32>,
        %get3A_390 = arith.index_cast %scan3A_109 : i32 to index
        %get3A_391 = arith.constant 176 : index
        %get3A_392 = tpu.vector_load %arg14[%get3A_390, %get3A_391] {strides = array<i32>} : memref<80x384xf32, #tpu.memory_space<vmem>>, vector<16xf32>,
        %add3A_393 = arith.addf %get3A_389, %get3A_392 : vector<16xf32>
        %get3A_394 = arith.constant 1 : i32
        %get3A_395 = arith.index_cast %get3A_394 : i32 to index
        %get3A_396 = arith.constant 48 : index
        %get3A_397 = tpu.vector_load %arg16[%get3A_395, %get3A_396] {strides = array<i32>} : memref<3x128xf32, #tpu.memory_space<vmem>>, vector<16xf32>,
        %mul3A_398 = arith.mulf %get3A_111, %get3A_397 : vector<16xf32>
        %add3A_399 = arith.addf %add3A_393, %mul3A_398 : vector<16xf32>
        %ge3A_400 = vector.broadcast %scan3A_75 : f32 to vector<16xf32>
        %ge3A_401 = arith.cmpf oge, %add3A_399, %ge3A_400 : vector<16xf32>
        %mul3A_402 = arith.constant 2.000000e-01 : f32
        %mul3A_403 = vector.broadcast %mul3A_402 : f32 to vector<16xf32>
        %mul3A_404 = arith.mulf %add3A_399, %mul3A_403 : vector<16xf32>
        %select_n3A_405 = arith.select %ge3A_401, %add3A_399, %mul3A_404 : vector<16xi1>, vector<16xf32>
        %get3A_406 = arith.constant 1 : i32
        %get3A_407 = arith.index_cast %get3A_406 : i32 to index
        %get3A_408 = arith.constant 48 : index
        %get3A_409 = tpu.vector_load %arg17[%get3A_407, %get3A_408] {strides = array<i32>} : memref<3x128xf32, #tpu.memory_space<vmem>>, vector<16xf32>,
        %mul3A_410 = arith.mulf %select_n3A_405, %get3A_409 : vector<16xf32>
        %add3A_411 = arith.addf %add3A_386, %mul3A_410 : vector<16xf32>
        %get3A_412 = arith.index_cast %scan3A_109 : i32 to index
        %get3A_413 = arith.constant 192 : index
        %get3A_414 = tpu.vector_load %arg13[%get3A_412, %get3A_413] {strides = array<i32>} : memref<80x512xf32, #tpu.memory_space<vmem>>, vector<16xf32>,
        %get3A_415 = arith.index_cast %scan3A_109 : i32 to index
        %get3A_416 = arith.constant 192 : index
        %get3A_417 = tpu.vector_load %arg14[%get3A_415, %get3A_416] {strides = array<i32>} : memref<80x384xf32, #tpu.memory_space<vmem>>, vector<16xf32>,
        %add3A_418 = arith.addf %get3A_414, %get3A_417 : vector<16xf32>
        %get3A_419 = arith.constant 1 : i32
        %get3A_420 = arith.index_cast %get3A_419 : i32 to index
        %get3A_421 = arith.constant 64 : index
        %get3A_422 = tpu.vector_load %arg16[%get3A_420, %get3A_421] {strides = array<i32>} : memref<3x128xf32, #tpu.memory_space<vmem>>, vector<16xf32>,
        %mul3A_423 = arith.mulf %get3A_111, %get3A_422 : vector<16xf32>
        %add3A_424 = arith.addf %add3A_418, %mul3A_423 : vector<16xf32>
        %ge3A_425 = vector.broadcast %scan3A_75 : f32 to vector<16xf32>
        %ge3A_426 = arith.cmpf oge, %add3A_424, %ge3A_425 : vector<16xf32>
        %mul3A_427 = arith.constant 2.000000e-01 : f32
        %mul3A_428 = vector.broadcast %mul3A_427 : f32 to vector<16xf32>
        %mul3A_429 = arith.mulf %add3A_424, %mul3A_428 : vector<16xf32>
        %select_n3A_430 = arith.select %ge3A_426, %add3A_424, %mul3A_429 : vector<16xi1>, vector<16xf32>
        %get3A_431 = arith.constant 1 : i32
        %get3A_432 = arith.index_cast %get3A_431 : i32 to index
        %get3A_433 = arith.constant 64 : index
        %get3A_434 = tpu.vector_load %arg17[%get3A_432, %get3A_433] {strides = array<i32>} : memref<3x128xf32, #tpu.memory_space<vmem>>, vector<16xf32>,
        %mul3A_435 = arith.mulf %select_n3A_430, %get3A_434 : vector<16xf32>
        %add3A_436 = arith.addf %add3A_411, %mul3A_435 : vector<16xf32>
        %get3A_437 = arith.index_cast %scan3A_109 : i32 to index
        %get3A_438 = arith.constant 208 : index
        %get3A_439 = tpu.vector_load %arg13[%get3A_437, %get3A_438] {strides = array<i32>} : memref<80x512xf32, #tpu.memory_space<vmem>>, vector<16xf32>,
        %get3A_440 = arith.index_cast %scan3A_109 : i32 to index
        %get3A_441 = arith.constant 208 : index
        %get3A_442 = tpu.vector_load %arg14[%get3A_440, %get3A_441] {strides = array<i32>} : memref<80x384xf32, #tpu.memory_space<vmem>>, vector<16xf32>,
        %add3A_443 = arith.addf %get3A_439, %get3A_442 : vector<16xf32>
        %get3A_444 = arith.constant 1 : i32
        %get3A_445 = arith.index_cast %get3A_444 : i32 to index
        %get3A_446 = arith.constant 80 : index
        %get3A_447 = tpu.vector_load %arg16[%get3A_445, %get3A_446] {strides = array<i32>} : memref<3x128xf32, #tpu.memory_space<vmem>>, vector<16xf32>,
        %mul3A_448 = arith.mulf %get3A_111, %get3A_447 : vector<16xf32>
        %add3A_449 = arith.addf %add3A_443, %mul3A_448 : vector<16xf32>
        %ge3A_450 = vector.broadcast %scan3A_75 : f32 to vector<16xf32>
        %ge3A_451 = arith.cmpf oge, %add3A_449, %ge3A_450 : vector<16xf32>
        %mul3A_452 = arith.constant 2.000000e-01 : f32
        %mul3A_453 = vector.broadcast %mul3A_452 : f32 to vector<16xf32>
        %mul3A_454 = arith.mulf %add3A_449, %mul3A_453 : vector<16xf32>
        %select_n3A_455 = arith.select %ge3A_451, %add3A_449, %mul3A_454 : vector<16xi1>, vector<16xf32>
        %get3A_456 = arith.constant 1 : i32
        %get3A_457 = arith.index_cast %get3A_456 : i32 to index
        %get3A_458 = arith.constant 80 : index
        %get3A_459 = tpu.vector_load %arg17[%get3A_457, %get3A_458] {strides = array<i32>} : memref<3x128xf32, #tpu.memory_space<vmem>>, vector<16xf32>,
        %mul3A_460 = arith.mulf %select_n3A_455, %get3A_459 : vector<16xf32>
        %add3A_461 = arith.addf %add3A_436, %mul3A_460 : vector<16xf32>
        %get3A_462 = arith.index_cast %scan3A_109 : i32 to index
        %get3A_463 = arith.constant 224 : index
        %get3A_464 = tpu.vector_load %arg13[%get3A_462, %get3A_463] {strides = array<i32>} : memref<80x512xf32, #tpu.memory_space<vmem>>, vector<16xf32>,
        %get3A_465 = arith.index_cast %scan3A_109 : i32 to index
        %get3A_466 = arith.constant 224 : index
        %get3A_467 = tpu.vector_load %arg14[%get3A_465, %get3A_466] {strides = array<i32>} : memref<80x384xf32, #tpu.memory_space<vmem>>, vector<16xf32>,
        %add3A_468 = arith.addf %get3A_464, %get3A_467 : vector<16xf32>
        %get3A_469 = arith.constant 1 : i32
        %get3A_470 = arith.index_cast %get3A_469 : i32 to index
        %get3A_471 = arith.constant 96 : index
        %get3A_472 = tpu.vector_load %arg16[%get3A_470, %get3A_471] {strides = array<i32>} : memref<3x128xf32, #tpu.memory_space<vmem>>, vector<16xf32>,
        %mul3A_473 = arith.mulf %get3A_111, %get3A_472 : vector<16xf32>
        %add3A_474 = arith.addf %add3A_468, %mul3A_473 : vector<16xf32>
        %ge3A_475 = vector.broadcast %scan3A_75 : f32 to vector<16xf32>
        %ge3A_476 = arith.cmpf oge, %add3A_474, %ge3A_475 : vector<16xf32>
        %mul3A_477 = arith.constant 2.000000e-01 : f32
        %mul3A_478 = vector.broadcast %mul3A_477 : f32 to vector<16xf32>
        %mul3A_479 = arith.mulf %add3A_474, %mul3A_478 : vector<16xf32>
        %select_n3A_480 = arith.select %ge3A_476, %add3A_474, %mul3A_479 : vector<16xi1>, vector<16xf32>
        %get3A_481 = arith.constant 1 : i32
        %get3A_482 = arith.index_cast %get3A_481 : i32 to index
        %get3A_483 = arith.constant 96 : index
        %get3A_484 = tpu.vector_load %arg17[%get3A_482, %get3A_483] {strides = array<i32>} : memref<3x128xf32, #tpu.memory_space<vmem>>, vector<16xf32>,
        %mul3A_485 = arith.mulf %select_n3A_480, %get3A_484 : vector<16xf32>
        %add3A_486 = arith.addf %add3A_461, %mul3A_485 : vector<16xf32>
        %get3A_487 = arith.index_cast %scan3A_109 : i32 to index
        %get3A_488 = arith.constant 240 : index
        %get3A_489 = tpu.vector_load %arg13[%get3A_487, %get3A_488] {strides = array<i32>} : memref<80x512xf32, #tpu.memory_space<vmem>>, vector<16xf32>,
        %get3A_490 = arith.index_cast %scan3A_109 : i32 to index
        %get3A_491 = arith.constant 240 : index
        %get3A_492 = tpu.vector_load %arg14[%get3A_490, %get3A_491] {strides = array<i32>} : memref<80x384xf32, #tpu.memory_space<vmem>>, vector<16xf32>,
        %add3A_493 = arith.addf %get3A_489, %get3A_492 : vector<16xf32>
        %get3A_494 = arith.constant 1 : i32
        %get3A_495 = arith.index_cast %get3A_494 : i32 to index
        %get3A_496 = arith.constant 112 : index
        %get3A_497 = tpu.vector_load %arg16[%get3A_495, %get3A_496] {strides = array<i32>} : memref<3x128xf32, #tpu.memory_space<vmem>>, vector<16xf32>,
        %mul3A_498 = arith.mulf %get3A_111, %get3A_497 : vector<16xf32>
        %add3A_499 = arith.addf %add3A_493, %mul3A_498 : vector<16xf32>
        %ge3A_500 = vector.broadcast %scan3A_75 : f32 to vector<16xf32>
        %ge3A_501 = arith.cmpf oge, %add3A_499, %ge3A_500 : vector<16xf32>
        %mul3A_502 = arith.constant 2.000000e-01 : f32
        %mul3A_503 = vector.broadcast %mul3A_502 : f32 to vector<16xf32>
        %mul3A_504 = arith.mulf %add3A_499, %mul3A_503 : vector<16xf32>
        %select_n3A_505 = arith.select %ge3A_501, %add3A_499, %mul3A_504 : vector<16xi1>, vector<16xf32>
        %get3A_506 = arith.constant 1 : i32
        %get3A_507 = arith.index_cast %get3A_506 : i32 to index
        %get3A_508 = arith.constant 112 : index
        %get3A_509 = tpu.vector_load %arg17[%get3A_507, %get3A_508] {strides = array<i32>} : memref<3x128xf32, #tpu.memory_space<vmem>>, vector<16xf32>,
        %mul3A_510 = arith.mulf %select_n3A_505, %get3A_509 : vector<16xf32>
        %add3A_511 = arith.addf %add3A_486, %mul3A_510 : vector<16xf32>
        %reduce_sum3A_512 = arith.constant true
        %reduce_sum3A_513 = vector.broadcast %reduce_sum3A_512 : i1 to vector<16xi1>
        %reduce_sum3A_514 = tpu.scan <sum>, %add3A_511 masked %reduce_sum3A_513 : vector<16xf32>, vector<16xi1> -> vector<16xf32>
        %reduce_sum3A_515 = vector.extract %reduce_sum3A_514[15] : f32 from vector<16xf32>
        %get3A_516 = arith.index_cast %scan3A_109 : i32 to index
        %get3A_517 = arith.constant 256 : index
        %get3A_518 = tpu.vector_load %arg13[%get3A_516, %get3A_517] {strides = array<i32>} : memref<80x512xf32, #tpu.memory_space<vmem>>, vector<16xf32>,
        %get3A_519 = arith.index_cast %scan3A_109 : i32 to index
        %get3A_520 = arith.constant 256 : index
        %get3A_521 = tpu.vector_load %arg14[%get3A_519, %get3A_520] {strides = array<i32>} : memref<80x384xf32, #tpu.memory_space<vmem>>, vector<16xf32>,
        %add3A_522 = arith.addf %get3A_518, %get3A_521 : vector<16xf32>
        %get3A_523 = arith.constant 2 : i32
        %get3A_524 = arith.index_cast %get3A_523 : i32 to index
        %get3A_525 = arith.constant 0 : index
        %get3A_526 = tpu.vector_load %arg16[%get3A_524, %get3A_525] {strides = array<i32>} : memref<3x128xf32, #tpu.memory_space<vmem>>, vector<16xf32>,
        %mul3A_527 = arith.mulf %get3A_111, %get3A_526 : vector<16xf32>
        %add3A_528 = arith.addf %add3A_522, %mul3A_527 : vector<16xf32>
        %ge3A_529 = vector.broadcast %scan3A_75 : f32 to vector<16xf32>
        %ge3A_530 = arith.cmpf oge, %add3A_528, %ge3A_529 : vector<16xf32>
        %mul3A_531 = arith.constant 2.000000e-01 : f32
        %mul3A_532 = vector.broadcast %mul3A_531 : f32 to vector<16xf32>
        %mul3A_533 = arith.mulf %add3A_528, %mul3A_532 : vector<16xf32>
        %select_n3A_534 = arith.select %ge3A_530, %add3A_528, %mul3A_533 : vector<16xi1>, vector<16xf32>
        %get3A_535 = arith.constant 2 : i32
        %get3A_536 = arith.index_cast %get3A_535 : i32 to index
        %get3A_537 = arith.constant 0 : index
        %get3A_538 = tpu.vector_load %arg17[%get3A_536, %get3A_537] {strides = array<i32>} : memref<3x128xf32, #tpu.memory_space<vmem>>, vector<16xf32>,
        %mul3A_539 = arith.mulf %select_n3A_534, %get3A_538 : vector<16xf32>
        %get3A_540 = arith.index_cast %scan3A_109 : i32 to index
        %get3A_541 = arith.constant 272 : index
        %get3A_542 = tpu.vector_load %arg13[%get3A_540, %get3A_541] {strides = array<i32>} : memref<80x512xf32, #tpu.memory_space<vmem>>, vector<16xf32>,
        %get3A_543 = arith.index_cast %scan3A_109 : i32 to index
        %get3A_544 = arith.constant 272 : index
        %get3A_545 = tpu.vector_load %arg14[%get3A_543, %get3A_544] {strides = array<i32>} : memref<80x384xf32, #tpu.memory_space<vmem>>, vector<16xf32>,
        %add3A_546 = arith.addf %get3A_542, %get3A_545 : vector<16xf32>
        %get3A_547 = arith.constant 2 : i32
        %get3A_548 = arith.index_cast %get3A_547 : i32 to index
        %get3A_549 = arith.constant 16 : index
        %get3A_550 = tpu.vector_load %arg16[%get3A_548, %get3A_549] {strides = array<i32>} : memref<3x128xf32, #tpu.memory_space<vmem>>, vector<16xf32>,
        %mul3A_551 = arith.mulf %get3A_111, %get3A_550 : vector<16xf32>
        %add3A_552 = arith.addf %add3A_546, %mul3A_551 : vector<16xf32>
        %ge3A_553 = vector.broadcast %scan3A_75 : f32 to vector<16xf32>
        %ge3A_554 = arith.cmpf oge, %add3A_552, %ge3A_553 : vector<16xf32>
        %mul3A_555 = arith.constant 2.000000e-01 : f32
        %mul3A_556 = vector.broadcast %mul3A_555 : f32 to vector<16xf32>
        %mul3A_557 = arith.mulf %add3A_552, %mul3A_556 : vector<16xf32>
        %select_n3A_558 = arith.select %ge3A_554, %add3A_552, %mul3A_557 : vector<16xi1>, vector<16xf32>
        %get3A_559 = arith.constant 2 : i32
        %get3A_560 = arith.index_cast %get3A_559 : i32 to index
        %get3A_561 = arith.constant 16 : index
        %get3A_562 = tpu.vector_load %arg17[%get3A_560, %get3A_561] {strides = array<i32>} : memref<3x128xf32, #tpu.memory_space<vmem>>, vector<16xf32>,
        %mul3A_563 = arith.mulf %select_n3A_558, %get3A_562 : vector<16xf32>
        %add3A_564 = arith.addf %mul3A_539, %mul3A_563 : vector<16xf32>
        %get3A_565 = arith.index_cast %scan3A_109 : i32 to index
        %get3A_566 = arith.constant 288 : index
        %get3A_567 = tpu.vector_load %arg13[%get3A_565, %get3A_566] {strides = array<i32>} : memref<80x512xf32, #tpu.memory_space<vmem>>, vector<16xf32>,
        %get3A_568 = arith.index_cast %scan3A_109 : i32 to index
        %get3A_569 = arith.constant 288 : index
        %get3A_570 = tpu.vector_load %arg14[%get3A_568, %get3A_569] {strides = array<i32>} : memref<80x384xf32, #tpu.memory_space<vmem>>, vector<16xf32>,
        %add3A_571 = arith.addf %get3A_567, %get3A_570 : vector<16xf32>
        %get3A_572 = arith.constant 2 : i32
        %get3A_573 = arith.index_cast %get3A_572 : i32 to index
        %get3A_574 = arith.constant 32 : index
        %get3A_575 = tpu.vector_load %arg16[%get3A_573, %get3A_574] {strides = array<i32>} : memref<3x128xf32, #tpu.memory_space<vmem>>, vector<16xf32>,
        %mul3A_576 = arith.mulf %get3A_111, %get3A_575 : vector<16xf32>
        %add3A_577 = arith.addf %add3A_571, %mul3A_576 : vector<16xf32>
        %ge3A_578 = vector.broadcast %scan3A_75 : f32 to vector<16xf32>
        %ge3A_579 = arith.cmpf oge, %add3A_577, %ge3A_578 : vector<16xf32>
        %mul3A_580 = arith.constant 2.000000e-01 : f32
        %mul3A_581 = vector.broadcast %mul3A_580 : f32 to vector<16xf32>
        %mul3A_582 = arith.mulf %add3A_577, %mul3A_581 : vector<16xf32>
        %select_n3A_583 = arith.select %ge3A_579, %add3A_577, %mul3A_582 : vector<16xi1>, vector<16xf32>
        %get3A_584 = arith.constant 2 : i32
        %get3A_585 = arith.index_cast %get3A_584 : i32 to index
        %get3A_586 = arith.constant 32 : index
        %get3A_587 = tpu.vector_load %arg17[%get3A_585, %get3A_586] {strides = array<i32>} : memref<3x128xf32, #tpu.memory_space<vmem>>, vector<16xf32>,
        %mul3A_588 = arith.mulf %select_n3A_583, %get3A_587 : vector<16xf32>
        %add3A_589 = arith.addf %add3A_564, %mul3A_588 : vector<16xf32>
        %get3A_590 = arith.index_cast %scan3A_109 : i32 to index
        %get3A_591 = arith.constant 304 : index
        %get3A_592 = tpu.vector_load %arg13[%get3A_590, %get3A_591] {strides = array<i32>} : memref<80x512xf32, #tpu.memory_space<vmem>>, vector<16xf32>,
        %get3A_593 = arith.index_cast %scan3A_109 : i32 to index
        %get3A_594 = arith.constant 304 : index
        %get3A_595 = tpu.vector_load %arg14[%get3A_593, %get3A_594] {strides = array<i32>} : memref<80x384xf32, #tpu.memory_space<vmem>>, vector<16xf32>,
        %add3A_596 = arith.addf %get3A_592, %get3A_595 : vector<16xf32>
        %get3A_597 = arith.constant 2 : i32
        %get3A_598 = arith.index_cast %get3A_597 : i32 to index
        %get3A_599 = arith.constant 48 : index
        %get3A_600 = tpu.vector_load %arg16[%get3A_598, %get3A_599] {strides = array<i32>} : memref<3x128xf32, #tpu.memory_space<vmem>>, vector<16xf32>,
        %mul3A_601 = arith.mulf %get3A_111, %get3A_600 : vector<16xf32>
        %add3A_602 = arith.addf %add3A_596, %mul3A_601 : vector<16xf32>
        %ge3A_603 = vector.broadcast %scan3A_75 : f32 to vector<16xf32>
        %ge3A_604 = arith.cmpf oge, %add3A_602, %ge3A_603 : vector<16xf32>
        %mul3A_605 = arith.constant 2.000000e-01 : f32
        %mul3A_606 = vector.broadcast %mul3A_605 : f32 to vector<16xf32>
        %mul3A_607 = arith.mulf %add3A_602, %mul3A_606 : vector<16xf32>
        %select_n3A_608 = arith.select %ge3A_604, %add3A_602, %mul3A_607 : vector<16xi1>, vector<16xf32>
        %get3A_609 = arith.constant 2 : i32
        %get3A_610 = arith.index_cast %get3A_609 : i32 to index
        %get3A_611 = arith.constant 48 : index
        %get3A_612 = tpu.vector_load %arg17[%get3A_610, %get3A_611] {strides = array<i32>} : memref<3x128xf32, #tpu.memory_space<vmem>>, vector<16xf32>,
        %mul3A_613 = arith.mulf %select_n3A_608, %get3A_612 : vector<16xf32>
        %add3A_614 = arith.addf %add3A_589, %mul3A_613 : vector<16xf32>
        %get3A_615 = arith.index_cast %scan3A_109 : i32 to index
        %get3A_616 = arith.constant 320 : index
        %get3A_617 = tpu.vector_load %arg13[%get3A_615, %get3A_616] {strides = array<i32>} : memref<80x512xf32, #tpu.memory_space<vmem>>, vector<16xf32>,
        %get3A_618 = arith.index_cast %scan3A_109 : i32 to index
        %get3A_619 = arith.constant 320 : index
        %get3A_620 = tpu.vector_load %arg14[%get3A_618, %get3A_619] {strides = array<i32>} : memref<80x384xf32, #tpu.memory_space<vmem>>, vector<16xf32>,
        %add3A_621 = arith.addf %get3A_617, %get3A_620 : vector<16xf32>
        %get3A_622 = arith.constant 2 : i32
        %get3A_623 = arith.index_cast %get3A_622 : i32 to index
        %get3A_624 = arith.constant 64 : index
        %get3A_625 = tpu.vector_load %arg16[%get3A_623, %get3A_624] {strides = array<i32>} : memref<3x128xf32, #tpu.memory_space<vmem>>, vector<16xf32>,
        %mul3A_626 = arith.mulf %get3A_111, %get3A_625 : vector<16xf32>
        %add3A_627 = arith.addf %add3A_621, %mul3A_626 : vector<16xf32>
        %ge3A_628 = vector.broadcast %scan3A_75 : f32 to vector<16xf32>
        %ge3A_629 = arith.cmpf oge, %add3A_627, %ge3A_628 : vector<16xf32>
        %mul3A_630 = arith.constant 2.000000e-01 : f32
        %mul3A_631 = vector.broadcast %mul3A_630 : f32 to vector<16xf32>
        %mul3A_632 = arith.mulf %add3A_627, %mul3A_631 : vector<16xf32>
        %select_n3A_633 = arith.select %ge3A_629, %add3A_627, %mul3A_632 : vector<16xi1>, vector<16xf32>
        %get3A_634 = arith.constant 2 : i32
        %get3A_635 = arith.index_cast %get3A_634 : i32 to index
        %get3A_636 = arith.constant 64 : index
        %get3A_637 = tpu.vector_load %arg17[%get3A_635, %get3A_636] {strides = array<i32>} : memref<3x128xf32, #tpu.memory_space<vmem>>, vector<16xf32>,
        %mul3A_638 = arith.mulf %select_n3A_633, %get3A_637 : vector<16xf32>
        %add3A_639 = arith.addf %add3A_614, %mul3A_638 : vector<16xf32>
        %get3A_640 = arith.index_cast %scan3A_109 : i32 to index
        %get3A_641 = arith.constant 336 : index
        %get3A_642 = tpu.vector_load %arg13[%get3A_640, %get3A_641] {strides = array<i32>} : memref<80x512xf32, #tpu.memory_space<vmem>>, vector<16xf32>,
        %get3A_643 = arith.index_cast %scan3A_109 : i32 to index
        %get3A_644 = arith.constant 336 : index
        %get3A_645 = tpu.vector_load %arg14[%get3A_643, %get3A_644] {strides = array<i32>} : memref<80x384xf32, #tpu.memory_space<vmem>>, vector<16xf32>,
        %add3A_646 = arith.addf %get3A_642, %get3A_645 : vector<16xf32>
        %get3A_647 = arith.constant 2 : i32
        %get3A_648 = arith.index_cast %get3A_647 : i32 to index
        %get3A_649 = arith.constant 80 : index
        %get3A_650 = tpu.vector_load %arg16[%get3A_648, %get3A_649] {strides = array<i32>} : memref<3x128xf32, #tpu.memory_space<vmem>>, vector<16xf32>,
        %mul3A_651 = arith.mulf %get3A_111, %get3A_650 : vector<16xf32>
        %add3A_652 = arith.addf %add3A_646, %mul3A_651 : vector<16xf32>
        %ge3A_653 = vector.broadcast %scan3A_75 : f32 to vector<16xf32>
        %ge3A_654 = arith.cmpf oge, %add3A_652, %ge3A_653 : vector<16xf32>
        %mul3A_655 = arith.constant 2.000000e-01 : f32
        %mul3A_656 = vector.broadcast %mul3A_655 : f32 to vector<16xf32>
        %mul3A_657 = arith.mulf %add3A_652, %mul3A_656 : vector<16xf32>
        %select_n3A_658 = arith.select %ge3A_654, %add3A_652, %mul3A_657 : vector<16xi1>, vector<16xf32>
        %get3A_659 = arith.constant 2 : i32
        %get3A_660 = arith.index_cast %get3A_659 : i32 to index
        %get3A_661 = arith.constant 80 : index
        %get3A_662 = tpu.vector_load %arg17[%get3A_660, %get3A_661] {strides = array<i32>} : memref<3x128xf32, #tpu.memory_space<vmem>>, vector<16xf32>,
        %mul3A_663 = arith.mulf %select_n3A_658, %get3A_662 : vector<16xf32>
        %add3A_664 = arith.addf %add3A_639, %mul3A_663 : vector<16xf32>
        %get3A_665 = arith.index_cast %scan3A_109 : i32 to index
        %get3A_666 = arith.constant 352 : index
        %get3A_667 = tpu.vector_load %arg13[%get3A_665, %get3A_666] {strides = array<i32>} : memref<80x512xf32, #tpu.memory_space<vmem>>, vector<16xf32>,
        %get3A_668 = arith.index_cast %scan3A_109 : i32 to index
        %get3A_669 = arith.constant 352 : index
        %get3A_670 = tpu.vector_load %arg14[%get3A_668, %get3A_669] {strides = array<i32>} : memref<80x384xf32, #tpu.memory_space<vmem>>, vector<16xf32>,
        %add3A_671 = arith.addf %get3A_667, %get3A_670 : vector<16xf32>
        %get3A_672 = arith.constant 2 : i32
        %get3A_673 = arith.index_cast %get3A_672 : i32 to index
        %get3A_674 = arith.constant 96 : index
        %get3A_675 = tpu.vector_load %arg16[%get3A_673, %get3A_674] {strides = array<i32>} : memref<3x128xf32, #tpu.memory_space<vmem>>, vector<16xf32>,
        %mul3A_676 = arith.mulf %get3A_111, %get3A_675 : vector<16xf32>
        %add3A_677 = arith.addf %add3A_671, %mul3A_676 : vector<16xf32>
        %ge3A_678 = vector.broadcast %scan3A_75 : f32 to vector<16xf32>
        %ge3A_679 = arith.cmpf oge, %add3A_677, %ge3A_678 : vector<16xf32>
        %mul3A_680 = arith.constant 2.000000e-01 : f32
        %mul3A_681 = vector.broadcast %mul3A_680 : f32 to vector<16xf32>
        %mul3A_682 = arith.mulf %add3A_677, %mul3A_681 : vector<16xf32>
        %select_n3A_683 = arith.select %ge3A_679, %add3A_677, %mul3A_682 : vector<16xi1>, vector<16xf32>
        %get3A_684 = arith.constant 2 : i32
        %get3A_685 = arith.index_cast %get3A_684 : i32 to index
        %get3A_686 = arith.constant 96 : index
        %get3A_687 = tpu.vector_load %arg17[%get3A_685, %get3A_686] {strides = array<i32>} : memref<3x128xf32, #tpu.memory_space<vmem>>, vector<16xf32>,
        %mul3A_688 = arith.mulf %select_n3A_683, %get3A_687 : vector<16xf32>
        %add3A_689 = arith.addf %add3A_664, %mul3A_688 : vector<16xf32>
        %get3A_690 = arith.index_cast %scan3A_109 : i32 to index
        %get3A_691 = arith.constant 368 : index
        %get3A_692 = tpu.vector_load %arg13[%get3A_690, %get3A_691] {strides = array<i32>} : memref<80x512xf32, #tpu.memory_space<vmem>>, vector<16xf32>,
        %get3A_693 = arith.index_cast %scan3A_109 : i32 to index
        %get3A_694 = arith.constant 368 : index
        %get3A_695 = tpu.vector_load %arg14[%get3A_693, %get3A_694] {strides = array<i32>} : memref<80x384xf32, #tpu.memory_space<vmem>>, vector<16xf32>,
        %add3A_696 = arith.addf %get3A_692, %get3A_695 : vector<16xf32>
        %get3A_697 = arith.constant 2 : i32
        %get3A_698 = arith.index_cast %get3A_697 : i32 to index
        %get3A_699 = arith.constant 112 : index
        %get3A_700 = tpu.vector_load %arg16[%get3A_698, %get3A_699] {strides = array<i32>} : memref<3x128xf32, #tpu.memory_space<vmem>>, vector<16xf32>,
        %mul3A_701 = arith.mulf %get3A_111, %get3A_700 : vector<16xf32>
        %add3A_702 = arith.addf %add3A_696, %mul3A_701 : vector<16xf32>
        %ge3A_703 = vector.broadcast %scan3A_75 : f32 to vector<16xf32>
        %ge3A_704 = arith.cmpf oge, %add3A_702, %ge3A_703 : vector<16xf32>
        %mul3A_705 = arith.constant 2.000000e-01 : f32
        %mul3A_706 = vector.broadcast %mul3A_705 : f32 to vector<16xf32>
        %mul3A_707 = arith.mulf %add3A_702, %mul3A_706 : vector<16xf32>
        %select_n3A_708 = arith.select %ge3A_704, %add3A_702, %mul3A_707 : vector<16xi1>, vector<16xf32>
        %get3A_709 = arith.constant 2 : i32
        %get3A_710 = arith.index_cast %get3A_709 : i32 to index
        %get3A_711 = arith.constant 112 : index
        %get3A_712 = tpu.vector_load %arg17[%get3A_710, %get3A_711] {strides = array<i32>} : memref<3x128xf32, #tpu.memory_space<vmem>>, vector<16xf32>,
        %mul3A_713 = arith.mulf %select_n3A_708, %get3A_712 : vector<16xf32>
        %add3A_714 = arith.addf %add3A_689, %mul3A_713 : vector<16xf32>
        %reduce_sum3A_715 = arith.constant true
        %reduce_sum3A_716 = vector.broadcast %reduce_sum3A_715 : i1 to vector<16xi1>
        %reduce_sum3A_717 = tpu.scan <sum>, %add3A_714 masked %reduce_sum3A_716 : vector<16xf32>, vector<16xi1> -> vector<16xf32>
        %reduce_sum3A_718 = vector.extract %reduce_sum3A_717[15] : f32 from vector<16xf32>
        %mul3A_719 = vector.broadcast %reduce_sum3A_312 : f32 to vector<16xf32>
        %mul3A_720 = arith.mulf %mul3A_719, %select_n3A : vector<16xf32>
        %mul3A_721 = vector.broadcast %reduce_sum3A_515 : f32 to vector<16xf32>
        %mul3A_722 = arith.mulf %mul3A_721, %select_n3A_28 : vector<16xf32>
        %add3A_723 = arith.addf %mul3A_720, %mul3A_722 : vector<16xf32>
        %mul3A_724 = vector.broadcast %reduce_sum3A_718 : f32 to vector<16xf32>
        %mul3A_725 = arith.mulf %mul3A_724, %select_n3A_40 : vector<16xf32>
        %add3A_726 = arith.addf %add3A_723, %mul3A_725 : vector<16xf32>
        %exp3A = math.exp %add3A_726 : vector<16xf32>
        %get3A_727 = arith.index_cast %scan3A_109 : i32 to index
        %get3A_728 = arith.constant 384 : index
        %get3A_729 = tpu.vector_load %arg13[%get3A_727, %get3A_728] {strides = array<i32>} : memref<80x512xf32, #tpu.memory_space<vmem>>, vector<16xf32>,
        %slice3A = vector.extract_strided_slice %get3A_729 {offsets = [0], sizes = [1], strides = [1]} : vector<16xf32> to vector<1xf32>
        %squeeze3A = vector.extract %slice3A[0] : f32 from vector<1xf32>
        %mul3A_730 = vector.broadcast %squeeze3A : f32 to vector<16xf32>
        %mul3A_731 = arith.mulf %mul3A_730, %select_n3A_48 : vector<16xf32>
        %slice3A_732 = vector.extract_strided_slice %get3A_729 {offsets = [1], sizes = [1], strides = [1]} : vector<16xf32> to vector<1xf32>
        %squeeze3A_733 = vector.extract %slice3A_732[0] : f32 from vector<1xf32>
        %mul3A_734 = vector.broadcast %squeeze3A_733 : f32 to vector<16xf32>
        %mul3A_735 = arith.mulf %mul3A_734, %select_n3A_56 : vector<16xf32>
        %add3A_736 = arith.addf %mul3A_731, %mul3A_735 : vector<16xf32>
        %slice3A_737 = vector.extract_strided_slice %get3A_729 {offsets = [2], sizes = [1], strides = [1]} : vector<16xf32> to vector<1xf32>
        %squeeze3A_738 = vector.extract %slice3A_737[0] : f32 from vector<1xf32>
        %mul3A_739 = vector.broadcast %squeeze3A_738 : f32 to vector<16xf32>
        %mul3A_740 = arith.mulf %mul3A_739, %select_n3A_64 : vector<16xf32>
        %add3A_741 = arith.addf %add3A_736, %mul3A_740 : vector<16xf32>
        %add3A_742 = arith.addf %select_n3A_71, %add3A_741 : vector<16xf32>
        %mul3A_743 = arith.mulf %exp3A, %add3A_742 : vector<16xf32>
        %swap3A = arith.index_cast %scan3A_109 : i32 to index
        %swap3A_744 = arith.constant 0 : index
        %swap3A_745 = tpu.vector_load %arg15[%swap3A, %swap3A_744] {strides = array<i32>} : memref<80x16xf32, #tpu.memory_space<vmem>>, vector<16xf32>,
        tpu.vector_store %arg15[%swap3A, %swap3A_744], %mul3A_743 {strides = array<i32>} : memref<80x16xf32, #tpu.memory_space<vmem>>, vector<16xf32>,
      }
      %scan3A_108 = arith.constant 80 : i32
      "tpu.region"() ({
        %run_scoped3A = tpu.sem_alloc : memref<!tpu.dma_semaphore, #tpu.memory_space<semaphore_mem>>
        %dma_start3A_109 = arith.constant 0 : i32
        %dma_start3A_110 = arith.constant 0 : i32
        %dma_start3A_111 = tpu.memref_slice %arg19[%dma_start3A_109, %dma_start3A_110] : memref<10240x16xf32, #tpu.memory_space<vmem_shared>> -> memref<10240x16xf32, #tpu.memory_space<vmem_shared>>
        tpu.enqueue_indirect_dma source(%arg15 : memref<80x16xf32, #tpu.memory_space<vmem>>) target(%dma_start3A_111 : memref<10240x16xf32, #tpu.memory_space<vmem_shared>>) offsets(%arg11 : memref<80xi32, #tpu.memory_space<vmem>>) semaphore(%run_scoped3A : memref<!tpu.dma_semaphore, #tpu.memory_space<semaphore_mem>>) {add = true}
        %dma_wait3A_112 = arith.constant 0 : i32
        %dma_wait3A_113 = arith.constant 0 : i32
        %dma_wait3A_114 = tpu.memref_slice %arg19[%dma_wait3A_112, %dma_wait3A_113] : memref<10240x16xf32, #tpu.memory_space<vmem_shared>> -> memref<10240x16xf32, #tpu.memory_space<vmem_shared>>
        tpu.wait_indirect_dma semaphore(%run_scoped3A : memref<!tpu.dma_semaphore, #tpu.memory_space<semaphore_mem>>) src(%arg15 : memref<80x16xf32, #tpu.memory_space<vmem>>) dst(%dma_wait3A_114 : memref<10240x16xf32, #tpu.memory_space<vmem_shared>>)
        tpu.yield
      }) : () -> ()
    }
    %scan3A_80 = arith.constant 125 : i32
    %barrier3A_81 = arith.constant 0 : index
    tpu.barrier barrier_id(%barrier3A_81)
    %mul3A_82 = arith.constant 640 : i32
    %mul3A_83 = arith.muli %arg1, %mul3A_82 : i32
    "tpu.region"() ({
      %run_scoped3A = tpu.sem_alloc : memref<!tpu.dma_semaphore, #tpu.memory_space<semaphore_mem>>
      %dma_start3A = arith.constant 0 : i32
      %dma_start3A_89 = tpu.memref_slice %arg19[%mul3A_83, %dma_start3A] : memref<10240x16xf32, #tpu.memory_space<vmem_shared>> -> memref<640x16xf32, #tpu.memory_space<vmem_shared>>
      %dma_start3A_90 = arith.constant 0 : i32
      %dma_start3A_91 = tpu.memref_slice %arg19[%mul3A_83, %dma_start3A_90] : memref<10240x16xf32, #tpu.memory_space<vmem_shared>> -> memref<640x16xf32, #tpu.memory_space<vmem_shared>>
      tpu.enqueue_dma source(%dma_start3A_91 : memref<640x16xf32, #tpu.memory_space<vmem_shared>>) target(%arg18 : memref<640x16xf32, #tpu.memory_space<vmem>>) target_semaphore(%run_scoped3A : memref<!tpu.dma_semaphore, #tpu.memory_space<semaphore_mem>>)
      %dma_wait3A = arith.constant 0 : i32
      %dma_wait3A_92 = tpu.memref_slice %arg19[%mul3A_83, %dma_wait3A] : memref<10240x16xf32, #tpu.memory_space<vmem_shared>> -> memref<640x16xf32, #tpu.memory_space<vmem_shared>>
      %dma_wait3A_93 = arith.constant 0 : i32
      %dma_wait3A_94 = tpu.memref_slice %arg19[%mul3A_83, %dma_wait3A_93] : memref<10240x16xf32, #tpu.memory_space<vmem_shared>> -> memref<640x16xf32, #tpu.memory_space<vmem_shared>>
      tpu.wait_dma2 semaphore(%run_scoped3A : memref<!tpu.dma_semaphore, #tpu.memory_space<semaphore_mem>>) src(%dma_wait3A_94 : memref<640x16xf32, #tpu.memory_space<vmem_shared>>) dst(%arg18 : memref<640x16xf32, #tpu.memory_space<vmem>>)
      tpu.yield
    }) : () -> ()
    %mul3A_84 = arith.constant 10240 : i32
    %mul3A_85 = arith.muli %arg0, %mul3A_84 : i32
    %mul3A_86 = arith.constant 640 : i32
    %mul3A_87 = arith.muli %arg1, %mul3A_86 : i32
    %add3A_88 = arith.addi %mul3A_85, %mul3A_87 : i32
    "tpu.region"() ({
      %run_scoped3A = tpu.sem_alloc : memref<!tpu.dma_semaphore, #tpu.memory_space<semaphore_mem>>
      %dma_start3A = arith.constant 0 : i32
      %dma_start3A_89 = tpu.memref_slice %arg9[%add3A_88, %dma_start3A] : memref<20480x16xf32, #tpu.memory_space<hbm>> -> memref<640x16xf32, #tpu.memory_space<hbm>>
      %dma_start3A_90 = arith.constant 0 : i32
      %dma_start3A_91 = tpu.memref_slice %arg9[%add3A_88, %dma_start3A_90] : memref<20480x16xf32, #tpu.memory_space<hbm>> -> memref<640x16xf32, #tpu.memory_space<hbm>>
      tpu.enqueue_dma source(%arg18 : memref<640x16xf32, #tpu.memory_space<vmem>>) target(%dma_start3A_91 : memref<640x16xf32, #tpu.memory_space<hbm>>) target_semaphore(%run_scoped3A : memref<!tpu.dma_semaphore, #tpu.memory_space<semaphore_mem>>)
      %dma_wait3A = arith.constant 0 : i32
      %dma_wait3A_92 = tpu.memref_slice %arg9[%add3A_88, %dma_wait3A] : memref<20480x16xf32, #tpu.memory_space<hbm>> -> memref<640x16xf32, #tpu.memory_space<hbm>>
      %dma_wait3A_93 = arith.constant 0 : i32
      %dma_wait3A_94 = tpu.memref_slice %arg9[%add3A_88, %dma_wait3A_93] : memref<20480x16xf32, #tpu.memory_space<hbm>> -> memref<640x16xf32, #tpu.memory_space<hbm>>
      tpu.wait_dma2 semaphore(%run_scoped3A : memref<!tpu.dma_semaphore, #tpu.memory_space<semaphore_mem>>) src(%arg18 : memref<640x16xf32, #tpu.memory_space<vmem>>) dst(%dma_wait3A_94 : memref<640x16xf32, #tpu.memory_space<hbm>>)
      tpu.yield
    }) : () -> ()
    return
  }
}

module attributes {stable_mosaic.version = 14 : i64} {
  func.func @_prep_body(%arg0: i32, %arg1: memref<400x128xf32, #tpu.memory_space<vmem>>, %arg2: memref<128x384xf32, #tpu.memory_space<vmem>>, %arg3: memref<1x384xf32, #tpu.memory_space<vmem>>, %arg4: memref<128x384xf32, #tpu.memory_space<vmem>>, %arg5: memref<1x384xf32, #tpu.memory_space<vmem>>, %arg6: memref<128x1xf32, #tpu.memory_space<vmem>>, %arg7: memref<400x512xf32, #tpu.memory_space<vmem>>, %arg8: memref<400x384xf32, #tpu.memory_space<vmem>>) attributes {dimension_semantics = [#tpu.dimension_semantics<arbitrary>], iteration_bounds = array<i64: 25>, scalar_prefetch = 0 : i64, scratch_operands = 0 : i64, tpu.core_type = #tpu.core_type<tc>, window_params = [{transform_indices = @transform_0, window_bounds = array<i64: 400, 128>}, {pipeline_mode = #tpu.pipeline_mode<synchronous>, transform_indices = @transform_1, window_bounds = array<i64: 128, 384>}, {pipeline_mode = #tpu.pipeline_mode<synchronous>, transform_indices = @transform_2, window_bounds = array<i64: 1, 384>}, {pipeline_mode = #tpu.pipeline_mode<synchronous>, transform_indices = @transform_3, window_bounds = array<i64: 128, 384>}, {pipeline_mode = #tpu.pipeline_mode<synchronous>, transform_indices = @transform_4, window_bounds = array<i64: 1, 384>}, {pipeline_mode = #tpu.pipeline_mode<synchronous>, transform_indices = @transform_5, window_bounds = array<i64: 128, 1>}, {transform_indices = @transform_6, window_bounds = array<i64: 400, 512>}, {transform_indices = @transform_7, window_bounds = array<i64: 400, 384>}]} {
    %get3A = arith.constant 0 : index
    %get3A_0 = arith.constant 0 : index
    %get3A_1 = vector.load %arg1[%get3A, %get3A_0] : memref<400x128xf32, #tpu.memory_space<vmem>>, vector<400x128xf32>
    %get3A_2 = arith.constant 0 : index
    %get3A_3 = arith.constant 0 : index
    %get3A_4 = vector.load %arg2[%get3A_2, %get3A_3] : memref<128x384xf32, #tpu.memory_space<vmem>>, vector<128x384xf32>
    %dot_general3A = arith.constant dense<0.000000e+00> : vector<400x384xf32>
    %dot_general3A_5 = tpu.matmul %get3A_1, %get3A_4, %dot_general3A {dimension_numbers = #tpu.dot_dimension_numbers<[1], [0], [0], [1], [0, 0, 1, 1], [], []>, transpose_lhs_hint = false} : vector<400x128xf32>, vector<128x384xf32>, vector<400x384xf32> -> vector<400x384xf32>
    %get3A_6 = arith.constant 0 : index
    %get3A_7 = arith.constant 0 : index
    %get3A_8 = vector.load %arg3[%get3A_6, %get3A_7] : memref<1x384xf32, #tpu.memory_space<vmem>>, vector<1x384xf32>
    %add3A = vector.broadcast %get3A_8 : vector<1x384xf32> to vector<400x384xf32>
    %add3A_9 = arith.addf %dot_general3A_5, %add3A : vector<400x384xf32>
    %get3A_10 = arith.constant 0 : index
    %get3A_11 = arith.constant 0 : index
    %get3A_12 = vector.load %arg4[%get3A_10, %get3A_11] : memref<128x384xf32, #tpu.memory_space<vmem>>, vector<128x384xf32>
    %dot_general3A_13 = arith.constant dense<0.000000e+00> : vector<400x384xf32>
    %dot_general3A_14 = tpu.matmul %get3A_1, %get3A_12, %dot_general3A_13 {dimension_numbers = #tpu.dot_dimension_numbers<[1], [0], [0], [1], [0, 0, 1, 1], [], []>, transpose_lhs_hint = false} : vector<400x128xf32>, vector<128x384xf32>, vector<400x384xf32> -> vector<400x384xf32>
    %get3A_15 = arith.constant 0 : index
    %get3A_16 = arith.constant 0 : index
    %get3A_17 = vector.load %arg5[%get3A_15, %get3A_16] : memref<1x384xf32, #tpu.memory_space<vmem>>, vector<1x384xf32>
    %add3A_18 = vector.broadcast %get3A_17 : vector<1x384xf32> to vector<400x384xf32>
    %add3A_19 = arith.addf %dot_general3A_14, %add3A_18 : vector<400x384xf32>
    %slice3A = vector.extract_strided_slice %add3A_9 {offsets = [0, 0], sizes = [400, 128], strides = [1, 1]} : vector<400x384xf32> to vector<400x128xf32>
    %get3A_20 = arith.constant 0 : index
    %get3A_21 = arith.constant 0 : index
    %get3A_22 = vector.load %arg6[%get3A_20, %get3A_21] : memref<128x1xf32, #tpu.memory_space<vmem>>, vector<128x1xf32>
    %dot_general3A_23 = arith.constant dense<0.000000e+00> : vector<400x1xf32>
    %dot_general3A_24 = tpu.matmul %slice3A, %get3A_22, %dot_general3A_23 {dimension_numbers = #tpu.dot_dimension_numbers<[1], [0], [0], [1], [0, 0, 1, 1], [], []>, transpose_lhs_hint = false} : vector<400x128xf32>, vector<128x1xf32>, vector<400x1xf32> -> vector<400x1xf32>
    %slice3A_25 = vector.extract_strided_slice %add3A_9 {offsets = [0, 128], sizes = [400, 128], strides = [1, 1]} : vector<400x384xf32> to vector<400x128xf32>
    %get3A_26 = arith.constant 0 : index
    %get3A_27 = arith.constant 0 : index
    %get3A_28 = vector.load %arg6[%get3A_26, %get3A_27] : memref<128x1xf32, #tpu.memory_space<vmem>>, vector<128x1xf32>
    %dot_general3A_29 = arith.constant dense<0.000000e+00> : vector<400x1xf32>
    %dot_general3A_30 = tpu.matmul %slice3A_25, %get3A_28, %dot_general3A_29 {dimension_numbers = #tpu.dot_dimension_numbers<[1], [0], [0], [1], [0, 0, 1, 1], [], []>, transpose_lhs_hint = false} : vector<400x128xf32>, vector<128x1xf32>, vector<400x1xf32> -> vector<400x1xf32>
    %slice3A_31 = vector.extract_strided_slice %add3A_9 {offsets = [0, 256], sizes = [400, 128], strides = [1, 1]} : vector<400x384xf32> to vector<400x128xf32>
    %get3A_32 = arith.constant 0 : index
    %get3A_33 = arith.constant 0 : index
    %get3A_34 = vector.load %arg6[%get3A_32, %get3A_33] : memref<128x1xf32, #tpu.memory_space<vmem>>, vector<128x1xf32>
    %dot_general3A_35 = arith.constant dense<0.000000e+00> : vector<400x1xf32>
    %dot_general3A_36 = tpu.matmul %slice3A_31, %get3A_34, %dot_general3A_35 {dimension_numbers = #tpu.dot_dimension_numbers<[1], [0], [0], [1], [0, 0, 1, 1], [], []>, transpose_lhs_hint = false} : vector<400x128xf32>, vector<128x1xf32>, vector<400x1xf32> -> vector<400x1xf32>
    %broadcast_in_dim3A = arith.constant 0.000000e+00 : f32
    %broadcast_in_dim3A_37 = vector.broadcast %broadcast_in_dim3A : f32 to vector<400x125xf32>
    %concatenate3A = tpu.concatenate %dot_general3A_24, %dot_general3A_30, %dot_general3A_36, %broadcast_in_dim3A_37 in 1 : vector<400x1xf32>, vector<400x1xf32>, vector<400x1xf32>, vector<400x125xf32> -> vector<400x128xf32>
    %concatenate3A_38 = tpu.concatenate %add3A_9, %concatenate3A in 1 : vector<400x384xf32>, vector<400x128xf32> -> vector<400x512xf32>
    %swap3A = arith.constant 0 : index
    %swap3A_39 = arith.constant 0 : index
    %swap3A_40 = vector.load %arg7[%swap3A, %swap3A_39] : memref<400x512xf32, #tpu.memory_space<vmem>>, vector<400x512xf32>
    tpu.vector_store %arg7[%swap3A, %swap3A_39], %concatenate3A_38 {strides = array<i32>} : memref<400x512xf32, #tpu.memory_space<vmem>>, vector<400x512xf32>,
    %swap3A_41 = arith.constant 0 : index
    %swap3A_42 = arith.constant 0 : index
    %swap3A_43 = vector.load %arg8[%swap3A_41, %swap3A_42] : memref<400x384xf32, #tpu.memory_space<vmem>>, vector<400x384xf32>
    tpu.vector_store %arg8[%swap3A_41, %swap3A_42], %add3A_19 {strides = array<i32>} : memref<400x384xf32, #tpu.memory_space<vmem>>, vector<400x384xf32>,
    return
  }
  func.func @transform_0(%arg0: i32) -> (i32, i32) {
    %c0_i32 = arith.constant 0 : i32
    %c0_i32_0 = arith.constant 0 : i32
    return %arg0, %c0_i32 : i32, i32
  }
  func.func @transform_1(%arg0: i32) -> (i32, i32) {
    %c0_i32 = arith.constant 0 : i32
    %c0_i32_0 = arith.constant 0 : i32
    %c0_i32_1 = arith.constant 0 : i32
    return %c0_i32, %c0_i32_0 : i32, i32
  }
  func.func @transform_2(%arg0: i32) -> (i32, i32) {
    %c0_i32 = arith.constant 0 : i32
    %c0_i32_0 = arith.constant 0 : i32
    %c0_i32_1 = arith.constant 0 : i32
    return %c0_i32, %c0_i32_0 : i32, i32
  }
  func.func @transform_3(%arg0: i32) -> (i32, i32) {
    %c0_i32 = arith.constant 0 : i32
    %c0_i32_0 = arith.constant 0 : i32
    %c0_i32_1 = arith.constant 0 : i32
    return %c0_i32, %c0_i32_0 : i32, i32
  }
  func.func @transform_4(%arg0: i32) -> (i32, i32) {
    %c0_i32 = arith.constant 0 : i32
    %c0_i32_0 = arith.constant 0 : i32
    %c0_i32_1 = arith.constant 0 : i32
    return %c0_i32, %c0_i32_0 : i32, i32
  }
  func.func @transform_5(%arg0: i32) -> (i32, i32) {
    %c0_i32 = arith.constant 0 : i32
    %c0_i32_0 = arith.constant 0 : i32
    %c0_i32_1 = arith.constant 0 : i32
    return %c0_i32, %c0_i32_0 : i32, i32
  }
  func.func @transform_6(%arg0: i32) -> (i32, i32) {
    %c0_i32 = arith.constant 0 : i32
    %c0_i32_0 = arith.constant 0 : i32
    return %arg0, %c0_i32 : i32, i32
  }
  func.func @transform_7(%arg0: i32) -> (i32, i32) {
    %c0_i32 = arith.constant 0 : i32
    %c0_i32_0 = arith.constant 0 : i32
    return %arg0, %c0_i32 : i32, i32
  }
}

module attributes {stable_mosaic.version = 14 : i64} {
  func.func @_fused_body(%arg0: i32, %arg1: memref<8000x3xf32, #tpu.memory_space<vmem>>, %arg2: memref<1x3xf32, #tpu.memory_space<vmem>>, %arg3: memref<8000x16xf32, #tpu.memory_space<vmem>>) attributes {dimension_semantics = [#tpu.dimension_semantics<arbitrary>], iteration_bounds = array<i64: 40>, scalar_prefetch = 0 : i64, scratch_operands = 0 : i64, tpu.core_type = #tpu.core_type<tc>, window_params = [{transform_indices = @transform_0, window_bounds = array<i64: 8000, 3>}, {pipeline_mode = #tpu.pipeline_mode<synchronous>, transform_indices = @transform_1, window_bounds = array<i64: 1, 3>}, {transform_indices = @transform_2, window_bounds = array<i64: 8000, 16>}]} {
    %get3A = arith.constant 0 : index
    %get3A_0 = arith.constant 0 : index
    %get3A_1 = vector.load %arg2[%get3A, %get3A_0] : memref<1x3xf32, #tpu.memory_space<vmem>>, vector<1x3xf32>
    %reduce_max3A = vector.shape_cast %get3A_1 : vector<1x3xf32> to vector<1x1x3xf32>
    %reduce_max3A_2 = arith.constant dense<0xFF800000> : vector<1xf32>
    %reduce_max3A_3 = vector.multi_reduction <maximumf>, %reduce_max3A, %reduce_max3A_2 [1, 2] : vector<1x1x3xf32> to vector<1xf32>
    %reduce_max3A_4 = vector.shape_cast %reduce_max3A_3 : vector<1xf32> to vector<1x1x1xf32>
    %reduce_max3A_5 = vector.extract %reduce_max3A_4[0, 0, 0] : f32 from vector<1x1x1xf32>
    %sub3A = vector.broadcast %reduce_max3A_5 : f32 to vector<1x3xf32>
    %sub3A_6 = arith.subf %get3A_1, %sub3A : vector<1x3xf32>
    %exp3A = math.exp %sub3A_6 : vector<1x3xf32>
    %reduce_sum3A = vector.shape_cast %exp3A : vector<1x3xf32> to vector<1x1x3xf32>
    %reduce_sum3A_7 = arith.constant dense<0.000000e+00> : vector<1xf32>
    %reduce_sum3A_8 = vector.multi_reduction <add>, %reduce_sum3A, %reduce_sum3A_7 [1, 2] : vector<1x1x3xf32> to vector<1xf32>
    %reduce_sum3A_9 = vector.shape_cast %reduce_sum3A_8 : vector<1xf32> to vector<1x1x1xf32>
    %reduce_sum3A_10 = vector.extract %reduce_sum3A_9[0, 0, 0] : f32 from vector<1x1x1xf32>
    %div3A = vector.broadcast %reduce_sum3A_10 : f32 to vector<1x3xf32>
    %div3A_11 = arith.divf %exp3A, %div3A : vector<1x3xf32>
    %get3A_12 = arith.constant 0 : index
    %get3A_13 = arith.constant 0 : index
    %get3A_14 = vector.load %arg1[%get3A_12, %get3A_13] : memref<8000x3xf32, #tpu.memory_space<vmem>>, vector<8000x3xf32>
    %mul3A = vector.broadcast %div3A_11 : vector<1x3xf32> to vector<8000x3xf32>
    %mul3A_15 = arith.mulf %get3A_14, %mul3A : vector<8000x3xf32>
    %reduce_sum3A_16 = arith.constant dense<0.000000e+00> : vector<8000xf32>
    %reduce_sum3A_17 = vector.multi_reduction <add>, %mul3A_15, %reduce_sum3A_16 [1] : vector<8000x3xf32> to vector<8000xf32>
    %broadcast_in_dim3A = vector.shape_cast %reduce_sum3A_17 : vector<8000xf32> to vector<8000x1xf32>
    %broadcast_in_dim3A_18 = vector.shape_cast %broadcast_in_dim3A : vector<8000x1xf32> to vector<8000x1xf32>
    %broadcast_in_dim3A_19 = vector.broadcast %broadcast_in_dim3A_18 : vector<8000x1xf32> to vector<8000x16xf32>
    %swap3A = arith.constant 0 : index
    %swap3A_20 = arith.constant 0 : index
    %swap3A_21 = vector.load %arg3[%swap3A, %swap3A_20] : memref<8000x16xf32, #tpu.memory_space<vmem>>, vector<8000x16xf32>
    tpu.vector_store %arg3[%swap3A, %swap3A_20], %broadcast_in_dim3A_19 {strides = array<i32>} : memref<8000x16xf32, #tpu.memory_space<vmem>>, vector<8000x16xf32>,
    return
  }
  func.func @transform_0(%arg0: i32) -> (i32, i32) {
    %c0_i32 = arith.constant 0 : i32
    %c0_i32_0 = arith.constant 0 : i32
    return %arg0, %c0_i32 : i32, i32
  }
  func.func @transform_1(%arg0: i32) -> (i32, i32) {
    %c0_i32 = arith.constant 0 : i32
    %c0_i32_0 = arith.constant 0 : i32
    %c0_i32_1 = arith.constant 0 : i32
    return %c0_i32, %c0_i32_0 : i32, i32
  }
  func.func @transform_2(%arg0: i32) -> (i32, i32) {
    %c0_i32 = arith.constant 0 : i32
    %c0_i32_0 = arith.constant 0 : i32
    return %arg0, %c0_i32 : i32, i32
  }
}

module attributes {stable_mosaic.version = 14 : i64} {
  func.func @_final_body(%arg0: memref<20480x16xf32, #tpu.memory_space<vmem>>, %arg1: memref<1x128xf32, #tpu.memory_space<vmem>>, %arg2: memref<1x128xf32, #tpu.memory_space<vmem>>, %arg3: memref<1x1xf32, #tpu.memory_space<vmem>>, %arg4: memref<10000x1xf32, #tpu.memory_space<vmem>>) attributes {dimension_semantics = [], scalar_prefetch = 0 : i64, scratch_operands = 0 : i64, tpu.core_type = #tpu.core_type<tc>} {
    %get3A = arith.constant 0 : index
    %get3A_0 = arith.constant 0 : index
    %get3A_1 = vector.load %arg0[%get3A, %get3A_0] : memref<20480x16xf32, #tpu.memory_space<vmem>>, vector<10000x16xf32>
    %get3A_2 = arith.constant 10240 : index
    %get3A_3 = arith.constant 0 : index
    %get3A_4 = vector.load %arg0[%get3A_2, %get3A_3] : memref<20480x16xf32, #tpu.memory_space<vmem>>, vector<10000x16xf32>
    %add3A = arith.addf %get3A_1, %get3A_4 : vector<10000x16xf32>
    %slice3A = vector.extract_strided_slice %add3A {offsets = [0, 0], sizes = [10000, 3], strides = [1, 1]} : vector<10000x16xf32> to vector<10000x3xf32>
    %slice3A_5 = vector.extract_strided_slice %add3A {offsets = [0, 3], sizes = [10000, 3], strides = [1, 1]} : vector<10000x16xf32> to vector<10000x3xf32>
    %add3A_6 = arith.constant 1.000000e-16 : f32
    %add3A_7 = vector.broadcast %add3A_6 : f32 to vector<10000x3xf32>
    %add3A_8 = arith.addf %slice3A, %add3A_7 : vector<10000x3xf32>
    %div3A = arith.divf %slice3A_5, %add3A_8 : vector<10000x3xf32>
    %get3A_9 = arith.constant 0 : index
    %get3A_10 = arith.constant 0 : index
    %get3A_11 = vector.load %arg1[%get3A_9, %get3A_10] : memref<1x128xf32, #tpu.memory_space<vmem>>, vector<1x128xf32>
    %get3A_12 = arith.constant 0 : index
    %get3A_13 = arith.constant 0 : index
    %get3A_14 = vector.load %arg2[%get3A_12, %get3A_13] : memref<1x128xf32, #tpu.memory_space<vmem>>, vector<1x128xf32>
    %mul3A = arith.mulf %get3A_11, %get3A_14 : vector<1x128xf32>
    %reduce_sum3A = vector.shape_cast %mul3A : vector<1x128xf32> to vector<1x1x128xf32>
    %reduce_sum3A_15 = arith.constant dense<0.000000e+00> : vector<1xf32>
    %reduce_sum3A_16 = vector.multi_reduction <add>, %reduce_sum3A, %reduce_sum3A_15 [1, 2] : vector<1x1x128xf32> to vector<1xf32>
    %reduce_sum3A_17 = vector.shape_cast %reduce_sum3A_16 : vector<1xf32> to vector<1x1x1xf32>
    %reduce_sum3A_18 = vector.extract %reduce_sum3A_17[0, 0, 0] : f32 from vector<1x1x1xf32>
    %get3A_19 = arith.constant 0 : index
    %get3A_20 = arith.constant 0 : index
    %get3A_21 = vector.load %arg3[%get3A_19, %get3A_20] : memref<1x1xf32, #tpu.memory_space<vmem>>, vector<1x1xf32>
    %get3A_22 = vector.extract %get3A_21[0, 0] : f32 from vector<1x1xf32>
    %add3A_23 = arith.addf %reduce_sum3A_18, %get3A_22 : f32
    %reduce_sum3A_24 = arith.constant dense<0.000000e+00> : vector<10000xf32>
    %reduce_sum3A_25 = vector.multi_reduction <add>, %div3A, %reduce_sum3A_24 [1] : vector<10000x3xf32> to vector<10000xf32>
    %broadcast_in_dim3A = vector.shape_cast %reduce_sum3A_25 : vector<10000xf32> to vector<10000x1xf32>
    %div3A_26 = arith.constant 3.000000e+00 : f32
    %div3A_27 = vector.broadcast %div3A_26 : f32 to vector<10000x1xf32>
    %div3A_28 = arith.divf %broadcast_in_dim3A, %div3A_27 : vector<10000x1xf32>
    %add3A_29 = vector.broadcast %add3A_23 : f32 to vector<10000x1xf32>
    %add3A_30 = arith.addf %div3A_28, %add3A_29 : vector<10000x1xf32>
    %reduce_max3A = vector.shape_cast %add3A_30 : vector<10000x1xf32> to vector<1x10000x1xf32>
    %reduce_max3A_31 = arith.constant dense<0xFF800000> : vector<1xf32>
    %reduce_max3A_32 = vector.multi_reduction <maximumf>, %reduce_max3A, %reduce_max3A_31 [1, 2] : vector<1x10000x1xf32> to vector<1xf32>
    %reduce_max3A_33 = vector.shape_cast %reduce_max3A_32 : vector<1xf32> to vector<1x1x1xf32>
    %reduce_max3A_34 = vector.extract %reduce_max3A_33[0, 0, 0] : f32 from vector<1x1x1xf32>
    %sub3A = vector.broadcast %reduce_max3A_34 : f32 to vector<10000x1xf32>
    %sub3A_35 = arith.subf %add3A_30, %sub3A : vector<10000x1xf32>
    %exp3A = math.exp %sub3A_35 : vector<10000x1xf32>
    %reduce_sum3A_36 = vector.shape_cast %exp3A : vector<10000x1xf32> to vector<1x10000x1xf32>
    %reduce_sum3A_37 = arith.constant dense<0.000000e+00> : vector<1xf32>
    %reduce_sum3A_38 = vector.multi_reduction <add>, %reduce_sum3A_36, %reduce_sum3A_37 [1, 2] : vector<1x10000x1xf32> to vector<1xf32>
    %reduce_sum3A_39 = vector.shape_cast %reduce_sum3A_38 : vector<1xf32> to vector<1x1x1xf32>
    %reduce_sum3A_40 = vector.extract %reduce_sum3A_39[0, 0, 0] : f32 from vector<1x1x1xf32>
    %div3A_41 = vector.broadcast %reduce_sum3A_40 : f32 to vector<10000x1xf32>
    %div3A_42 = arith.divf %exp3A, %div3A_41 : vector<10000x1xf32>
    %swap3A = arith.constant 0 : index
    %swap3A_43 = arith.constant 0 : index
    %swap3A_44 = vector.load %arg4[%swap3A, %swap3A_43] : memref<10000x1xf32, #tpu.memory_space<vmem>>, vector<10000x1xf32>
    tpu.vector_store %arg4[%swap3A, %swap3A_43], %div3A_42 {strides = array<i32>} : memref<10000x1xf32, #tpu.memory_space<vmem>>, vector<10000x1xf32>,
    return
  }
}

</mosaic_0001>

<sc_bundles>
// kernel: kernel.6.cloned.1.call-start
scs
__scs_entry_jumppad:
0x0: {  	(pc) =	sbr.rel $0x88, $3  }
0x1: {  	(tag) =	ssettag $0x0;
	lr =	simm.s32 $0x1  }
0x2: {  	[smem:$0x3F94] =	sst lr;
	_ =	strace $0xD0000000  }
0x3: {  	_ = 	snop  }
0x4: {  	_ = 	snop  }
0x5: {  	_ = 	snop  }
0x6: {  	_ = 	snop  }
0x7: {  	_ = 	snop  }
__scs_overlays_trampoline_lowered:
0x8: {  	[smem:$0x3FA3] =	sst s0  }
0x9: {  	[smem:$0x3FA4] =	sst s1  }
0xa: {  	[smem:$0x3FA5] =	sst s2  }
0xb: {  	[smem:$0x3FA6] =	sst s3  }
0xc: {  	[smem:$0x3FA7] =	sst s4  }
0xd: {  	[smem:$0x3FA8] =	sst s5  }
0xe: {  	[smem:$0x3FA9] =	sst s6  }
0xf: {  	[smem:$0x3FAA] =	sst s7  }
0x10: {  	[smem:$0x3FAB] =	sst s8  }
0x11: {  	[smem:$0x3FAC] =	sst s9;
	s0 =	simm.s32 @!p0 $0x0  }
0x12: {  	s1 =	sld [smem:$0x3F92];
	s0 =	simm.s32 @p0 $0x1  }
0x13: {  	[smem:$0x3FAD] =	sst s0;
	s0 =	simm.s32 @!p1 $0x0  }
0x14: {  	s2 =	sld [smem:$0x3F91];
	s0 =	simm.s32 @p1 $0x1  }
0x15: {  	[smem:$0x3FAE] =	sst s0;
	s0 =	simm.s32 @!p2 $0x0  }
0x16: {  	s3 =	sld [smem:$0x3FDB];
	s0 =	simm.s32 @p2 $0x1  }
0x17: {  	s4 =	simm.s32 $0x1BF5;
	[smem:$0x3FB0] =	sst s0  }
0x18: {  	s0 =	sld [smem:$0x3F93];
	_ =	swait.ge [sflag:s4], $0x0  }
0x19: {  	s7 =	sld [smem:$0x3F94]  }
0x1a: {  	s8 =	sadd.s32 $0xFFFFE003, lr  }
0x1b: {  	s9 =	sadd.s32 $0xFFFFFEF7, lr;
	s5 =	simm.s32 $0xFFFFFFFF;
	p2 =	slt.u32 s8, $0xFFFFF086  }
0x1c: {  	p1 =	slt.u32 s9, $0xF7A;
	s5 =	simm.s32 @!p2 $0x0  }
0x1d: {  	s5 =	simm.s32 @p1 $0x1;
	p0 =	seq.s32 s7, s2  }
0x1e: {  	s7 =	smul.u32 @!p0 $0xF7A, s2;
	p2 =	seq.s32 @!p0 s5, $0x0  }
0x1f: {  	s9 =	smul.u32 $0xF7A, s1;
	s8 =	simm.s32 @!p0 $0x1BF5;
	p2 =	por !p2, p0  }
0x20: {  	[sflag:s8] =	ssyncset.s32 @!p0 $0xFFFFF086;
	s6 =	sadd.s32 @!p0 s3, s7;
	s7 =	simm.s32 @!p0 $0x108  }
0x21: {  	s3 =	sadd.s32 s3, s9;
	s6 =	sadd.s32 @!p0 $0x88, s6;
	s7 =	simm.s32 @p2 $0x1082  }
0x22: {  	[simem:s7], [sflag:s8] =	dma.local @!p0 [hbm:s6], $0xF7A  }
0x23: {  	s9 =	sor.u32 $0xD0000000, s2;
	s6 =	simm.s32 $0x108;
	_ =	swait.ge @!p0 [sflag:s8], $0x0  }
0x24: {  	s3 =	sadd.s32 $0x88, s3;
	s6 =	simm.s32 @!p1 $0x1082;
	[sflag:s4] =	ssyncset.s32 $0xFFFFF086  }
0x25: {  	[simem:s6], [sflag:s4] =	dma.local [hbm:s3], $0xF7A  }
0x26: {  	[smem:$0x3F94] =	sst s1;
	(tag) =	ssettag s2;
	_ =	strace s9  }
0x27: {  	s1 =	sld [smem:$0x3FA4]  }
0x28: {  	s2 =	sld [smem:$0x3FA5]  }
0x29: {  	s4 =	sld [smem:$0x3FA7]  }
0x2a: {  	p0 =	seq.s32 s5, $0x0;
	s5 =	sld [smem:$0x3FA8]  }
0x2b: {  	s6 =	sld [smem:$0x3FA9]  }
0x2c: {  	s7 =	sld [smem:$0x3FAA]  }
0x2d: {  	s3 =	simm.s32 $0x108;
	s8 =	sld [smem:$0x3FAB]  }
0x2e: {  	s3 =	simm.s32 @!p0 $0x1082;
	s9 =	sld [smem:$0x3FAC]  }
0x2f: {  	lr =	sadd.s32 s0, s3;
	s0 =	sld [smem:$0x3FA3]  }
0x30: {  	s3 =	sld [smem:$0x3FA6]  }
0x31: {  	[smem:$0x3FAF] =	sst s10  }
0x32: {  	s10 =	sld [smem:$0x3FAD];
	_ =	sdelay $0x3  }
0x33: {  	p0 =	seq.s32 s10, $0x1;
	s10 =	sld [smem:$0x3FAF];
	_ =	sdelay $0x3  }
0x34: {  	[smem:$0x3FAF] =	sst s10  }
0x35: {  	s10 =	sld [smem:$0x3FAE];
	_ =	sdelay $0x3  }
0x36: {  	p1 =	seq.s32 s10, $0x1;
	s10 =	sld [smem:$0x3FAF];
	_ =	sdelay $0x3  }
0x37: {  	[smem:$0x3FAF] =	sst s10  }
0x38: {  	s10 =	sld [smem:$0x3FB0]  }
0x39: {  	_ = 	snop;
	(pc) =	sbr.ind lr, $3  }
0x3a: {  	_ = 	snop  }
0x3b: {  	_ = 	snop  }
0x3c: {  	p2 =	seq.s32 s10, $0x1;
	s10 =	sld [smem:$0x3FAF]  }
0x3d: {  	_ =	shalt  }
0x3e: {  	_ =	shalt  }
0x3f: {  	_ =	shalt  }
0x40: {  	_ =	shalt  }
0x41: {  	_ =	shalt  }
0x42: {  	_ =	shalt  }
0x43: {  	_ =	shalt  }
0x44: {  	_ =	shalt  }
0x45: {  	_ =	shalt  }
0x46: {  	_ =	shalt  }
0x47: {  	_ =	shalt  }
0x48: {  	_ =	shalt  }
0x49: {  	_ =	shalt  }
0x4a: {  	_ =	shalt  }
0x4b: {  	_ =	shalt  }
0x4c: {  	_ =	shalt  }
0x4d: {  	_ =	shalt  }
0x4e: {  	_ =	shalt  }
0x4f: {  	_ =	shalt  }
0x50: {  	_ =	shalt  }
0x51: {  	_ =	shalt  }
0x52: {  	_ =	shalt  }
0x53: {  	_ =	shalt  }
0x54: {  	_ =	shalt  }
0x55: {  	_ =	shalt  }
0x56: {  	_ =	shalt  }
0x57: {  	_ =	shalt  }
0x58: {  	_ =	shalt  }
0x59: {  	_ =	shalt  }
0x5a: {  	_ =	shalt  }
0x5b: {  	_ =	shalt  }
0x5c: {  	_ =	shalt  }
0x5d: {  	_ =	shalt  }
0x5e: {  	_ =	shalt  }
0x5f: {  	_ =	shalt  }
0x60: {  	_ =	shalt  }
0x61: {  	_ =	shalt  }
0x62: {  	_ =	shalt  }
0x63: {  	_ =	shalt  }
0x64: {  	_ =	shalt  }
0x65: {  	_ =	shalt  }
0x66: {  	_ =	shalt  }
0x67: {  	_ =	shalt  }
0x68: {  	_ =	shalt  }
0x69: {  	_ =	shalt  }
0x6a: {  	_ =	shalt  }
0x6b: {  	_ =	shalt  }
0x6c: {  	_ =	shalt  }
0x6d: {  	_ =	shalt  }
0x6e: {  	_ =	shalt  }
0x6f: {  	_ =	shalt  }
0x70: {  	_ =	shalt  }
0x71: {  	_ =	shalt  }
0x72: {  	_ =	shalt  }
0x73: {  	_ =	shalt  }
0x74: {  	_ =	shalt  }
0x75: {  	_ =	shalt  }
0x76: {  	_ =	shalt  }
0x77: {  	_ =	shalt  }
0x78: {  	_ =	shalt  }
0x79: {  	_ =	shalt  }
0x7a: {  	_ =	shalt  }
0x7b: {  	_ =	shalt  }
0x7c: {  	_ =	shalt  }
0x7d: {  	_ =	shalt  }
0x7e: {  	_ =	shalt  }
0x7f: {  	_ =	shalt  }
0x80: {  	_ =	shalt  }
0x81: {  	_ =	shalt  }
0x82: {  	_ =	shalt  }
0x83: {  	_ =	shalt  }
0x84: {  	_ =	shalt  }
0x85: {  	_ =	shalt  }
0x86: {  	_ =	shalt  }
0x87: {  	_ =	shalt  }
.Lfunc_end0:
.L_simem_size_0:
called_computation_lowered:
.L_overlay_start_0:
0x88: {  	s2 =	sld [smem:$0x3FD9]  }
0x89: {  	s3 =	sld [smem:$0x3FFE];
	_ =	sdelay $0x1  }
0x8a: {  	s1 =	srdreg.scid  }
0x8b: {  	s0 =	sand.u32 $0x1, s1  }
0x8c: {  	s17 =	sshll.u32 s0, $0xA;
	s2 =	sadd.s32 s3, s2  }
0x8d: {  	s2 =	sadd.s32 s2, s17  }
0x8e: {  	[smem:$0x3FBB] =	sst s2  }
0x8f: {  	_ = 	snop  }
0x90: {  	s2 =	sld [smem:$0x3FC0]  }
0x91: {  	s18 =	sld [smem:$0x3FD0];
	(tm) =	ssettm $0x1  }
0x92: {  	s4 =	sld [smem:$0x3FFB];
	_ =	sdelay $0x3  }
0x93: {  	_ =	strace s4  }
0x94: {  	s4 =	sld [smem:$0x3FFC];
	_ =	sdelay $0x3  }
0x95: {  	_ =	strace s4  }
0x96: {  	s4 =	sld [smem:$0x3FFD];
	_ =	sdelay $0x3  }
0x97: {  	_ =	strace s4  }
0x98: {  	_ =	strace $0x8FFFFFFF  }
0x99: {  	s19 =	sld [smem:$0x3FDB];
	_ =	sdelay $0x1  }
0x9a: {  	s5 =	simm.s32 $_scs_section_size  }
0x9b: {  	s6 =	simm.s32 $_size__tile_overlayer_lowered;
	s7 =	simm.s32 $_tile_overlayer_lowered  }
0x9c: {  	s22 =	simm.s32 $0x1BFF;
	s21 =	sshll.u32 s7, $0x1;
	s4 =	sadd.s32 s5, s19  }
0x9d: {  	s8 =	simm.s32 $0x0;
	s20 =	sshll.u32 s6, $0x1;
	s6 =	sadd.s32 s21, s4  }
0x9e: {  	[timem:s8], [sflag:s22] =	dma.local [hbm:s6], s20  }
0x9f: {  	_ =	swait.ge [sflag:s22], s20  }
0xa0: {  	s5 =	ssub.s32 $0x0, s20;
	[sflag:s22] =	ssyncset.done $0x0  }
0xa1: {  	[sflag:s22] =	ssyncadd.s32 s5;
	_ =	sdelay $0x1  }
0xa2: {  	s23 =	simm.s32 $0x1B8B  }
0xa3: {  	_ =	swait.ge [sflag:s23], $0x1  }
0xa4: {  	[sflag:s23] =	ssyncset.done $0x0  }
0xa5: {  	s25 =	simm.s32 $0x1B8E;
	s24 =	sld [smem:$0x3FFE];
	[sflag:s23] =	ssyncadd.s32 $0xFFFFFFFF  }
0xa6: {  	s26 =	simm.s32 $execute0_lowered;
	[smem:$0x3FD2] =	sst s25  }
0xa7: {  	s6 =	sshll.u32 s26, $0x1;
	_ =	strace $0x80000046;
	[dreg:$0x1] =	wrdreg $0xFFFFFFFF  }
0xa8: {  	s28 =	simm.s32 $_size_execute0_lowered;
	s4 =	sadd.s32 s4, s6;
	[dreg:$0x0] =	wrdreg $0x0  }
0xa9: {  	s6 =	sshll.u32 s28, $0x1;
	[dreg:$0x2] =	wrdreg s4  }
0xaa: {  	[dreg:$0x3] =	wrdreg s6  }
0xab: {  	[dreg:$0x4] =	wrdreg $0xC0  }
0xac: {  	_ =	task [dreg:s8], $0x5FFFF  }
0xad: {  	[dreg:$0x1] =	wrdreg $0xFFFFFFFF  }
0xae: {  	[dreg:$0x0] =	wrdreg $0x60  }
0xaf: {  	[dreg:$0x2] =	wrdreg s24  }
0xb0: {  	[dreg:$0x3] =	wrdreg s18  }
0xb1: {  	[dreg:$0x4] =	wrdreg s2  }
0xb2: {  	[dreg:$0x5] =	wrdreg $0x14DA00  }
0xb3: {  	[dreg:$0x6] =	wrdreg $0x9  }
0xb4: {  	_ =	task.clear_ibuf [dreg:s8], $0x7FFFF;
	_ =	strace $0x90000046  }
0xb5: {  	s29 =	simm.s32 $0x9;
	_ =	strace $0x80000048  }
0xb6: {  	_ =	swait.ge [sflag:s29], $0x1  }
0xb7: {  	[sflag:s29] =	ssyncadd.s32 $0xFFFFFFFF  }
0xb8: {  	_ =	strace $0x90000048  }
0xb9: {  	_ =	sfence  }
0xba: {  	s30 =	sld [smem:$0x0];
	_ =	sdelay $0x2  }
0xbb: {  	s31 =	sshll.u32 s1, $0xD;
	s1 =	sshrl.u32 s1, $0x2  }
0xbc: {  	s3 =	sand.u32 $0x4000, s31;
	s1 =	sadd.s32 s1, s30  }
0xbd: {  	s0 =	sor.u32 s3, s0;
	s1 =	sshll.u32 s1, $0x11  }
0xbe: {  	s0 =	sor.u32 s1, s0  }
0xbf: {  	s0 =	sadd.s32 $0x8F2B, s0  }
0xc0: {  	[sflag:s0] =	ssyncadd.remote.s32 $0x1  }
0xc1: {  	_ =	sfence.sel $0xFFFF  }
0xc2: {  	[dreg:$0x0] =	wrdreg $0xFFFFFFFF;
	(pc) =	sbr.abs _section_cstart, $3  }
0xc3: {  	[dreg:$0x1] =	wrdreg $0xFFFFFFFF  }
0xc4: {  	_ =	task.clear_ibuf [dreg:s8], $0x2FFFF;
	_ =	strace $0x9FFFFFFF  }
0xc5: {  	(tm) =	ssettm $0x7FFFFFFF  }
tec
execute0_lowered:
.L_overlay_start_1:
0x0: {  	(tag) =	ssettag $0x1  }
0x1: {  	s0 =	rddreg [dreg:$0x0]  }
0x2: {  	s2 =	rddreg [dreg:$0x2]  }
0x3: {  	s4 =	rddreg [dreg:$0x3]  }
0x4: {  	s5 =	simm.s32 $0x0;
	s3 =	srdreg.scid;
	s1 =	stileid.u32  }
0x5: {  	s15 =	simm.s32 $0x125A0;
	s16 =	simm.s32 $0x3;
	s17 =	simm.s32 $0x122A0  }
0x6: {  	s18 =	simm.s32 $0x12420;
	s19 =	simm.s32 $0x50;
	s20 =	simm.s32 $0xA0  }
0x7: {  	s21 =	simm.s32 $0x5A0;
	s22 =	simm.s32 $0xA5A0;
	s23 =	simm.s32 $0x1  }
0x8: {  	s24 =	simm.s32 $0x2;
	s25 =	simm.s32 $0x11DA0;
	s26 =	simm.s32 $0x0  }
0x9: {  	s28 =	simm.s32 $0x0;
	[smem:$0x7FF] =	sst s5;
	s3 =	sand.u32 $0x1, s3  }
0xa: {  	s10 =	smul.u32 $0x500, s1;
	s6 =	sadd.s32 $0x9CE00, s0;
	s7 =	sadd.s32 $0xA00, s0  }
0xb: {  	v0 =	vimm.f32 $0.0e+00;
	vm0 =	vcmask $0x300;
	vm12 =	vcmask $0xF0C;
	s8 =	sadd.s32 $0x7FC00, s0;
	s9 =	sadd.s32 $0x75E00, s0;
	s12 =	smul.u32 $0xA000, s1  }
0xc: {  	vm1 =	vcmask $0x704;
	vm13 =	vcmask $0x1310;
	vm2 =	vcmask $0xB08;
	_ =	strace $0x80000047;
	s11 =	smul.u32 $0x5000, s3;
	s31 =	ssub.s32 $0x2, s3  }
0xd: {  	vm14 =	vcmask $0x1714;
	vm15 =	vcmask $0xB00;
	v1 =	vsel vm0, $0x3F800000, v0;
	s3 =	sshll.u32 s3, $0x4;
	s13 =	sshrl.u32 s31, $0x1;
	s12 =	sshrl.u32 s12, $0x2  }
0xe: {  	v2 =	vsel vm1, $0x3F800000, v0;
	v3 =	vsel vm2, $0x3F800000, v0;
	v4 =	vsel vm12, $0x3F800000, v0;
	s3 =	sor.u32 s1, s3;
	s11 =	sadd.s32 s10, s11;
	s10 =	sadd.s32 $0x139200, s0  }
0xf: {  	v5 =	vsel vm13, $0x3F800000, v0;
	v6 =	vsel vm14, $0x3F800000, v0;
	v7 =	vsel vm15, $0x3F800000, v0;
	s14 =	ssub.s32 s31, s13;
	s0 =	sadd.s32 s11, s0;
	s11 =	sadd.s32 s12, s4  }
0x10: {  	v1 =	vsel vm12, $0x3F800000, v1;
	v2 =	vsel vm13, $0x3F800000, v2;
	v3 =	vsel vm14, $0x3F800000, v3;
	s12 =	smul.u32 $0x2710, s3;
	s14 =	smax.u32 s14, $0x1;
	s13 =	sadd.s32 $0x89A00, s0  }
.LBB2_1:
0x11: {  	s0 =	simm.s32 $0x40;
	s3 =	simm.s32 $0x0  }
.LBB2_2:
0x12: {  	p0 =	sne.s32 s0, $0x9FC0;
	[tilespmem:s3+$0x125A0] =	vst v0;
	s3 =	smov.u32 s0;
	s0 =	sadd.s32 $0x40, s0  }
.Ltmp0:
0x13: {  	(pc) =	sbr.rel @p0 .LBB2_2-.Ltmp0, $2  }
0x14: {  	_ =	sdelay $0x2  }
0x15: {  	s3 =	sshra.s32 s3, $0x2  }
0x16: {  	[tilespmem:s3+$0x125A0] =	vst v0  }
0x17: {  	[spmem:s11] =	stream.linear.scatter [tilespmem:s15], [sflag:$0x3], $0x2800, $0x38;
	[tilespmem:$0x175A0] =	vst v63  }
0x18: {  	_ =	swait.ge [sflag:s16], $0x2800  }
0x19: {  	[sflag:s16] =	ssyncset.done $0x0  }
0x1a: {  	[sflag:s16] =	ssyncadd.s32 $0xFFFFD800  }
0x1b: {  	s0 =	rddreg [dreg:$0x1]  }
0x1c: {  	[tilespmem:s17], [sflag:$0x3] =	stream.linear.gather [hbm4b:s0+s28], $0x180, $0x38;
	[tilespmem:$0x175A0] =	vst v63  }
0x1d: {  	_ =	swait.ge [sflag:s16], $0x180  }
0x1e: {  	[sflag:s16] =	ssyncset.done $0x0  }
0x1f: {  	[sflag:s16] =	ssyncadd.s32 $0xFFFFFE80  }
0x20: {  	[tilespmem:s18], [sflag:$0x3] =	stream.linear.gather [hbm4b:s2+s28], $0x180, $0x38;
	[tilespmem:$0x175A0] =	vst v63  }
0x21: {  	_ =	swait.ge [sflag:s16], $0x180  }
0x22: {  	[sflag:s16] =	ssyncset.done $0x0  }
0x23: {  	[sflag:s16] =	ssyncadd.s32 $0xFFFFFE80  }
0x24: {  	s29 =	simm.s32 $0x0;
	[bflag:$0x0] =	sbarrier.arrive $0xFFFF  }
.LBB2_4:
0x25: {  	s0 =	smul.u32 $0x50, s29;
	_ =	sdelay $0x1  }
0x26: {  	s0 =	sadd.s32 s12, s0  }
0x27: {  	s3 =	sshrl.u32 s0, $0x3  }
0x28: {  	s30 =	sadd.s32 s8, s3  }
0x29: {  	[tilespmem:s28], [sflag:$0x3] =	stream.linear.gather [hbm4b:s30+s28], $0x50, $0x38;
	[tilespmem:$0x175A0] =	vst v63  }
0x2a: {  	_ =	swait.ge [sflag:s16], $0x50  }
0x2b: {  	[sflag:s16] =	ssyncset.done $0x0  }
0x2c: {  	s3 =	sadd.s32 s9, s3;
	[sflag:s16] =	ssyncadd.s32 $0xFFFFFFB0  }
0x2d: {  	[tilespmem:s19], [sflag:$0x3] =	stream.linear.gather [hbm4b:s3+s28], $0x50, $0x38;
	[tilespmem:$0x175A0] =	vst v63  }
0x2e: {  	_ =	swait.ge [sflag:s16], $0x50  }
0x2f: {  	s0 =	sshll.u32 s0, $0x1;
	[sflag:s16] =	ssyncset.done $0x0  }
0x30: {  	s0 =	sadd.s32 s10, s0;
	[sflag:s16] =	ssyncadd.s32 $0xFFFFFFB0  }
0x31: {  	[tilespmem:s20], [sflag:$0x3] =	stream.linear.gather [hbm4b:s0+s28], $0x500, $0x38;
	[tilespmem:$0x175A0] =	vst v63  }
0x32: {  	_ =	swait.ge [sflag:s16], $0x500  }
0x33: {  	[sflag:s16] =	ssyncset.done $0x0  }
0x34: {  	[sflag:s16] =	ssyncadd.s32 $0xFFFFFB00  }
0x35: {  	[tilespmem:s21], [sflag:$0x1] =	stream.indirect.gather [hbm4b:s6+s19], $0x200, s28, s19, $0xb8;
	[tilespmem:$0x175A0] =	vst v63  }
0x36: {  	_ = 	snop  }
0x37: {  	[tilespmem:s22], [sflag:$0x2] =	stream.indirect.gather [hbm4b:s7+s19], $0x180, s19, s19, $0xb8;
	[tilespmem:$0x175A0] =	vst v63  }
0x38: {  	_ =	swait.ge [sflag:s23], $0xA000  }
0x39: {  	[sflag:s23] =	ssyncset.done $0x0  }
0x3a: {  	[sflag:s23] =	ssyncadd.s32 $0xFFFF6000  }
0x3b: {  	_ =	swait.ge [sflag:s24], $0x7800  }
0x3c: {  	[sflag:s24] =	ssyncset.done $0x0  }
0x3d: {  	s30 =	simm.s32 $0x0;
	[sflag:s24] =	ssyncadd.s32 $0xFFFF8800  }
0x3e: {  	v8 =	vld [tilespmem:s30+$0xA0]  }
0x3f: {  	v9 =	vld [tilespmem:$0x12590]  }
0x40: {  	v12 =	vld [tilespmem:$0x12490]  }
0x41: {  	v13 =	vld [tilespmem:$0x12580]  }
0x42: {  	v16 =	vld [tilespmem:$0x12480]  }
0x43: {  	v17 =	vld [tilespmem:$0x12570]  }
0x44: {  	v18 =	vld [tilespmem:$0x12470]  }
0x45: {  	v19 =	vld [tilespmem:$0x12560]  }
0x46: {  	v20 =	vld [tilespmem:$0x12460]  }
0x47: {  	v25 =	vld [tilespmem:$0x12550]  }
0x48: {  	v24 =	vld [tilespmem:$0x12450]  }
0x49: {  	v23 =	vld [tilespmem:$0x12540]  }
0x4a: {  	s0 =	simm.s32 $0xA660;
	v10 =	vld [tilespmem:$0x12410]  }
0x4b: {  	s31 =	simm.s32 $0x660;
	v14 =	vld [tilespmem:s0+$0xB0]  }
0x4c: {  	v15 =	vld [tilespmem:s31+$0xB0]  }
0x4d: {  	v22 =	vld [tilespmem:$0x12440]  }
0x4e: {  	v21 =	vld [tilespmem:$0x12310]  }
0x4f: {  	v26 =	vld [tilespmem:s0+$0xFFFFFFB0]  }
0x50: {  	v27 =	vld [tilespmem:s31+$0xFFFFFFB0]  }
0x51: {  	v28 =	vld [tilespmem:$0x12390]  }
0x52: {  	v29 =	vld [tilespmem:s0+$0x30]  }
0x53: {  	v30 =	vld [tilespmem:s31+$0x30]  }
0x54: {  	v31 =	vld [tilespmem:$0x12400]  }
0x55: {  	v32 =	vld [tilespmem:s0+$0xA0]  }
0x56: {  	v33 =	vld [tilespmem:s31+$0xA0]  }
0x57: {  	v34 =	vld [tilespmem:$0x12300]  }
0x58: {  	v35 =	vld [tilespmem:s0+$0xFFFFFFA0]  }
0x59: {  	v36 =	vld [tilespmem:s31+$0xFFFFFFA0]  }
0x5a: {  	v37 =	vld [tilespmem:$0x12380]  }
0x5b: {  	v38 =	vld [tilespmem:s0+$0x20]  }
0x5c: {  	v39 =	vld [tilespmem:s31+$0x20]  }
0x5d: {  	v40 =	vld [tilespmem:$0x123F0]  }
0x5e: {  	v41 =	vld [tilespmem:s0+$0x90]  }
0x5f: {  	v42 =	vld [tilespmem:s31+$0x90]  }
0x60: {  	v43 =	vld [tilespmem:$0x122F0]  }
0x61: {  	v44 =	vld [tilespmem:s0+$0xFFFFFF90]  }
0x62: {  	v45 =	vld [tilespmem:s31+$0xFFFFFF90]  }
0x63: {  	v46 =	vld [tilespmem:$0x12370]  }
0x64: {  	v47 =	vld [tilespmem:s0+$0x10]  }
0x65: {  	v48 =	vld [tilespmem:s31+$0x10]  }
0x66: {  	v49 =	vld [tilespmem:$0x123E0]  }
0x67: {  	v50 =	vld [tilespmem:s0+$0x80]  }
0x68: {  	v51 =	vld [tilespmem:s31+$0x80]  }
0x69: {  	v52 =	vld [tilespmem:$0x122E0]  }
0x6a: {  	v53 =	vld [tilespmem:s0+$0xFFFFFF80]  }
0x6b: {  	v54 =	vld [tilespmem:s31+$0xFFFFFF80]  }
0x6c: {  	v55 =	vld [tilespmem:$0x123D0];
	v10 =	vmul.f32 v10, v8  }
0x6d: {  	v14 =	vadd.f32 v14, v15;
	v15 =	vmul.f32 v21, v8;
	v21 =	vld [tilespmem:$0x12360];
	v31 =	vmul.f32 v31, v8  }
0x6e: {  	v28 =	vmul.f32 v28, v8;
	v60 =	vmul.f32 v40, v8;
	v40 =	vld [tilespmem:$0x12350];
	v38 =	vadd.f32 v38, v39  }
0x6f: {  	v37 =	vmul.f32 v37, v8;
	v61 =	vadd.f32 v44, v45;
	v57 =	vmul.f32 v52, v8;
	v52 =	vld [tilespmem:$0x122A0]  }
0x70: {  	v39 =	vld [tilespmem:s0+$0xFFFFFFF0];
	v62 =	vmul.f32 v43, v8;
	v56 =	vadd.f32 v53, v54;
	v10 =	vadd.f32 v10, v14  }
0x71: {  	v63 =	vadd.f32 v50, v51;
	v49 =	vmul.f32 v49, v8;
	v44 =	vld [tilespmem:s0+$0xFFFFFF60];
	v14 =	vadd.f32 v26, v27  }
0x72: {  	v51 =	vmul.f32 v46, v8;
	v43 =	vld [tilespmem:$0x12340];
	v46 =	vadd.f32 v57, v56;
	v26 =	vmul.f32 $2.000000030e-01, v10  }
0x73: {  	v27 =	vld [tilespmem:s0+$0x0];
	v14 =	vadd.f32 v15, v14;
	v15 =	vadd.f32 v32, v33;
	v21 =	vmul.f32 v21, v8  }
0x74: {  	v32 =	vld [tilespmem:s31+$0x0];
	vm0 =	vge.f32 v10, $0.0e+00;
	v54 =	vmul.f32 v40, v8;
	v40 =	vmul.f32 v52, v8  }
0x75: {  	v45 =	vld [tilespmem:$0x123A0];
	v58 =	vmul.f32 $2.000000030e-01, v14;
	v15 =	vadd.f32 v31, v15;
	v10 =	vsel vm0, v10, v26  }
0x76: {  	v33 =	vld [tilespmem:s31+$0x70];
	v26 =	vadd.f32 v35, v36;
	v31 =	vmul.f32 v34, v8;
	vm0 =	vge.f32 v14, $0.0e+00  }
0x77: {  	v34 =	vld [tilespmem:s0+$0x70];
	v10 =	vmul.f32 v10, v9;
	v14 =	vsel vm0, v14, v58;
	v59 =	vmul.f32 $2.000000030e-01, v15  }
0x78: {  	v57 =	vld [tilespmem:s31+$0xFFFFFF40];
	v26 =	vadd.f32 v31, v26;
	v9 =	vmul.f32 v14, v12;
	v12 =	vadd.f32 v29, v30  }
0x79: {  	v36 =	vld [tilespmem:$0x122D0];
	vm0 =	vge.f32 v15, $0.0e+00;
	v30 =	vadd.f32 v41, v42;
	v27 =	vadd.f32 v27, v32  }
0x7a: {  	v35 =	vld [tilespmem:s0+$0x60];
	v14 =	vsel vm0, v15, v59;
	v15 =	vmul.f32 $2.000000030e-01, v26;
	vm0 =	vge.f32 v26, $0.0e+00  }
0x7b: {  	v31 =	vld [tilespmem:s0+$0xFFFFFF70];
	v59 =	vmul.f32 v55, v8;
	v30 =	vadd.f32 v60, v30;
	v12 =	vadd.f32 v28, v12  }
0x7c: {  	v29 =	vld [tilespmem:s31+$0xFFFFFF70];
	v28 =	vadd.f32 v62, v61;
	v33 =	vadd.f32 v34, v33;
	v60 =	vmul.f32 $2.000000030e-01, v46  }
0x7d: {  	v42 =	vld [tilespmem:s31+$0xFFFFFFF0];
	v21 =	vadd.f32 v21, v27;
	v26 =	vsel vm0, v26, v15;
	v15 =	vmul.f32 v14, v13  }
0x7e: {  	v55 =	vld [tilespmem:s0+$0xFFFFFF40];
	v14 =	vadd.f32 v37, v38;
	v38 =	vadd.f32 v49, v63;
	v13 =	vmul.f32 v26, v16  }
0x7f: {  	v34 =	vld [tilespmem:$0x123B0];
	v16 =	vmul.f32 $2.000000030e-01, v30;
	vm1 =	vge.f32 v30, $0.0e+00;
	v50 =	vmul.f32 $2.000000030e-01, v28  }
0x80: {  	v62 =	vld [tilespmem:s0+$0x50];
	v33 =	vadd.f32 v59, v33;
	v59 =	vmul.f32 v43, v8;
	vm0 =	vge.f32 v14, $0.0e+00  }
0x81: {  	v37 =	vld [tilespmem:s31+$0x60];
	vm2 =	vge.f32 v38, $0.0e+00;
	v58 =	vmul.f32 $2.000000030e-01, v38;
	v29 =	vadd.f32 v31, v29  }
0x82: {  	v63 =	vld [tilespmem:s31+$0x50];
	v31 =	vmul.f32 v36, v8;
	v53 =	vadd.f32 v39, v42;
	v16 =	vsel vm1, v30, v16  }
0x83: {  	v26 =	vld [tilespmem:$0x123C0];
	vm1 =	vge.f32 v28, $0.0e+00;
	v61 =	vmul.f32 $2.000000030e-01, v33;
	v39 =	vadd.f32 v55, v57  }
0x84: {  	v41 =	vld [tilespmem:s31+$0xFFFFFF60];
	v16 =	vmul.f32 v16, v17;
	v17 =	vadd.f32 v47, v48;
	v28 =	vsel vm1, v28, v50  }
0x85: {  	v32 =	vld [tilespmem:s31+$0x40];
	v38 =	vsel vm2, v38, v58;
	vm2 =	vge.f32 v46, $0.0e+00;
	v29 =	vadd.f32 v31, v29  }
0x86: {  	v30 =	vld [tilespmem:$0x122C0];
	v18 =	vmul.f32 v28, v18;
	v19 =	vmul.f32 v38, v19;
	v31 =	vsel vm2, v46, v60  }
0x87: {  	v36 =	vld [tilespmem:s0+$0x40];
	vm2 =	vge.f32 v33, $0.0e+00;
	v62 =	vadd.f32 v62, v63;
	v63 =	vmul.f32 v34, v8  }
0x88: {  	v47 =	vld [tilespmem:s0+$0xFFFFFFE0];
	v17 =	vadd.f32 v51, v17;
	v51 =	vadd.f32 v35, v37;
	v26 =	vmul.f32 v26, v8  }
0x89: {  	v28 =	vld [tilespmem:s31+$0xFFFFFFE0];
	v20 =	vmul.f32 v31, v20;
	v27 =	vsel vm2, v33, v61;
	v31 =	vmul.f32 $2.000000030e-01, v29  }
0x8a: {  	v11 =	vld [tilespmem:$0x12520];
	vm2 =	vge.f32 v29, $0.0e+00;
	v61 =	vmul.f32 v45, v8;
	v56 =	vadd.f32 v26, v51  }
0x8b: {  	v34 =	vld [tilespmem:$0x12330];
	v26 =	vmul.f32 v27, v25;
	v27 =	vadd.f32 v44, v41;
	v30 =	vmul.f32 v30, v8  }
0x8c: {  	v33 =	vld [tilespmem:s0+$0xFFFFFF50];
	v36 =	vadd.f32 v36, v32;
	v37 =	vadd.f32 v63, v62;
	v29 =	vsel vm2, v29, v31  }
0x8d: {  	v35 =	vld [tilespmem:s31+$0xFFFFFF50];
	v24 =	vmul.f32 v29, v24;
	v29 =	vmul.f32 $2.000000030e-01, v56;
	v58 =	vadd.f32 v30, v27  }
0x8e: {  	v25 =	vadd.f32 v54, v53;
	v31 =	vld [tilespmem:$0x122B0];
	vm4 =	vge.f32 v56, $0.0e+00;
	v28 =	vadd.f32 v47, v28  }
0x8f: {  	v32 =	vld [tilespmem:s31+$0xFFFFFFC0];
	v38 =	vadd.f32 v61, v36;
	v27 =	vsel vm4, v56, v29;
	v60 =	vmul.f32 $2.000000030e-01, v58  }
0x90: {  	v36 =	vld [tilespmem:s0+$0xFFFFFFD0];
	vm4 =	vge.f32 v58, $0.0e+00;
	v27 =	vmul.f32 v27, v23;
	v23 =	vadd.f32 v59, v28  }
0x91: {  	vm1 =	vge.f32 v17, $0.0e+00;
	vm2 =	vge.f32 v21, $0.0e+00;
	v30 =	vld [tilespmem:s0+$0xFFFFFFC0];
	v28 =	vsel vm4, v58, v60  }
0x92: {  	s3 =	simm.s32 $0x40;
	vm3 =	vge.f32 v25, $0.0e+00;
	v29 =	vld [tilespmem:$0x12320];
	v22 =	vmul.f32 v28, v22;
	v28 =	vmul.f32 $2.000000030e-01, v23  }
.LBB2_5:
0x93: {  	p0 =	sne.s32 s3, $0x13C0;
	v33 =	vadd.f32 v33, v35;
	v31 =	vmul.f32 v31, v8;
	v35 =	vld [tilespmem:s31+$0xFFFFFFD0];
	v41 =	vmul.f32 $2.000000030e-01, v38  }
0x94: {  	vm4 =	vge.f32 v38, $0.0e+00;
	v39 =	vadd.f32 v40, v39;
	v40 =	vmul.f32 $2.000000030e-01, v37;
	v42 =	vld [tilespmem:$0x12530]  }
0x95: {  	v43 =	vld [tilespmem:$0x12420];
	v31 =	vadd.f32 v31, v33;
	v33 =	vsel vm4, v38, v41;
	vm4 =	vge.f32 v37, $0.0e+00  }
0x96: {  	v38 =	vmul.f32 $2.000000030e-01, v39;
	v41 =	vld [tilespmem:$0x12430];
	v11 =	vmul.f32 v33, v11;
	v33 =	vsel vm4, v37, v40  }
0x97: {  	v29 =	vmul.f32 v29, v8;
	vm4 =	vge.f32 v39, $0.0e+00;
	v37 =	vmul.f32 $2.000000030e-01, v31  }
0x98: {  	v30 =	vadd.f32 v30, v32;
	v8 =	vmul.f32 v34, v8;
	v32 =	vadd.f32 v36, v35  }
0x99: {  	v34 =	vsel vm4, v39, v38;
	vm4 =	vge.f32 v31, $0.0e+00;
	v35 =	vld [tilespmem:$0x124A0];
	v33 =	vmul.f32 v33, v42  }
0x9a: {  	v29 =	vadd.f32 v29, v30;
	v31 =	vsel vm4, v31, v37;
	v8 =	vadd.f32 v8, v32;
	v30 =	vld [tilespmem:$0x124B0]  }
0x9b: {  	v32 =	vmul.f32 v34, v43;
	v31 =	vmul.f32 v31, v41;
	v11 =	vadd.f32 v33, v11  }
0x9c: {  	vm4 =	vge.f32 v23, $0.0e+00;
	v33 =	vmul.f32 $2.000000030e-01, v29;
	v34 =	vmul.f32 $2.000000030e-01, v8;
	v36 =	vld [tilespmem:$0x124C0]  }
0x9d: {  	vm5 =	vge.f32 v29, $0.0e+00;
	vm6 =	vge.f32 v8, $0.0e+00;
	v11 =	vadd.f32 v27, v11  }
0x9e: {  	v27 =	vadd.f32 v31, v32;
	v29 =	vsel vm5, v29, v33;
	v8 =	vsel vm6, v8, v34;
	v31 =	vld [tilespmem:$0x124D0]  }
0x9f: {  	v29 =	vmul.f32 v29, v35;
	v8 =	vmul.f32 v8, v30;
	v11 =	vadd.f32 v26, v11  }
0xa0: {  	v23 =	vsel vm4, v23, v28;
	v22 =	vadd.f32 v22, v27;
	v26 =	vmul.f32 $2.000000030e-01, v25;
	v27 =	vld [tilespmem:$0x124E0]  }
0xa1: {  	v8 =	vadd.f32 v8, v29;
	v23 =	vmul.f32 v23, v36;
	v11 =	vadd.f32 v19, v11  }
0xa2: {  	v19 =	vadd.f32 v24, v22;
	v22 =	vsel vm3, v25, v26;
	v24 =	vmul.f32 $2.000000030e-01, v21;
	v25 =	vld [tilespmem:$0x124F0]  }
0xa3: {  	v8 =	vadd.f32 v23, v8;
	v22 =	vmul.f32 v22, v31;
	v11 =	vadd.f32 v16, v11  }
0xa4: {  	v16 =	vadd.f32 v20, v19;
	v19 =	vsel vm2, v21, v24;
	v20 =	vmul.f32 $2.000000030e-01, v17;
	v21 =	vld [tilespmem:$0x12500]  }
0xa5: {  	v8 =	vadd.f32 v22, v8;
	v19 =	vmul.f32 v19, v27;
	v11 =	vadd.f32 v15, v11  }
0xa6: {  	v15 =	vadd.f32 v18, v16;
	v16 =	vsel vm1, v17, v20;
	v17 =	vmul.f32 $2.000000030e-01, v14;
	v18 =	vld [tilespmem:$0x12510]  }
0xa7: {  	v8 =	vadd.f32 v19, v8;
	v16 =	vmul.f32 v16, v25;
	v10 =	vadd.f32 v10, v11  }
0xa8: {  	v11 =	vadd.f32 v13, v15;
	v13 =	vsel vm0, v14, v17;
	v14 =	vmul.f32 $2.000000030e-01, v12  }
0xa9: {  	vm0 =	vge.f32 v12, $0.0e+00;
	v8 =	vadd.f32 v16, v8;
	v13 =	vmul.f32 v13, v21;
	(xrf2) =	vadd.scan.msk.f32 $0xffff, v10  }
0xaa: {  	v9 =	vadd.f32 v9, v11;
	v10 =	vsel vm0, v12, v14  }
0xab: {  	v8 =	vadd.f32 v13, v8;
	v10 =	vmul.f32 v10, v18  }
0xac: {  	(xrf2) =	vadd.scan.msk.f32 $0xffff, v9  }
0xad: {  	v8 =	vadd.f32 v10, v8;
	_ =	sdelay $0x1  }
0xae: {  	(xrf2) =	vadd.scan.msk.f32 $0xffff, v8;
	_ =	sdelay $0x3  }
0xaf: {  	v8, _, _ =	vpop (xrf2);
	_ =	sdelay $0x2  }
0xb0: {  	v9, _, _ =	vpop (xrf2);
	_ =	sdelay $0x2  }
0xb1: {  	v10, _, _ =	vpop (xrf2)  }
0xb2: {  	v9 =	vbroadcast v9, $0xF;
	v10 =	vbroadcast v10, $0xF  }
0xb3: {  	v8 =	vbroadcast v8, $0xF  }
0xb4: {  	v9 =	vmul.f32 v1, v9;
	v10 =	vmul.f32 v2, v10;
	_ =	sdelay $0x1  }
0xb5: {  	v8 =	vmul.f32 v3, v8;
	v9 =	vadd.f32 v10, v9;
	v10 =	vld [tilespmem:s31+$0xC0];
	_ =	sdelay $0x1  }
0xb6: {  	v8 =	vadd.f32 v8, v9;
	_ =	sdelay $0x1  }
0xb7: {  	v8 =	vmul.f32 $1.442695020e+00, v8  }
0xb8: {  	v9 =	vbroadcast v10, $0x0  }
0xb9: {  	v11 =	vbroadcast v10, $0x1;
	(erf) = vpow2.f32 v8  }
0xba: {  	v8 =	vbroadcast v10, $0x2  }
0xbb: {  	v9 =	vmul.f32 v4, v9;
	v10 =	vmul.f32 v5, v11;
	_ =	sdelay $0x1  }
0xbc: {  	v8 =	vmul.f32 v6, v8;
	v9 =	vadd.f32 v10, v9;
	_ =	sdelay $0x1  }
0xbd: {  	v8 =	vadd.f32 v9, v8;
	_ =	sdelay $0x1  }
0xbe: {  	v8 =	vadd.f32 v7, v8  }
0xbf: {  	v9 =	vpop (erf)  }
0xc0: {  	v9 =	vmul.f32 v9, v8  }
0xc1: {  	s1 =	sshra.s32 s3, $0x2  }
0xc2: {  	v8 =	vld [tilespmem:s1+$0xA0];
	[tilespmem:s30+$0x11DA0] =	vst v9;
	s30 =	smov.u32 s1  }
0xc3: {  	v9 =	vld [tilespmem:$0x12590]  }
0xc4: {  	v14 =	vld [tilespmem:$0x12490]  }
0xc5: {  	v13 =	vld [tilespmem:$0x12580]  }
0xc6: {  	v12 =	vld [tilespmem:$0x12480]  }
0xc7: {  	v16 =	vld [tilespmem:$0x12570]  }
0xc8: {  	v18 =	vld [tilespmem:$0x12470]  }
0xc9: {  	v19 =	vld [tilespmem:$0x12560]  }
0xca: {  	v20 =	vld [tilespmem:$0x12460]  }
0xcb: {  	v25 =	vld [tilespmem:$0x12550]  }
0xcc: {  	v24 =	vld [tilespmem:$0x12450]  }
0xcd: {  	v23 =	vld [tilespmem:$0x12540]  }
0xce: {  	s0 =	sadd.s32 $0x180, s0;
	v10 =	vld [tilespmem:$0x12410]  }
0xcf: {  	s31 =	sadd.s32 $0x200, s31;
	v15 =	vld [tilespmem:s0+$0xB0]  }
0xd0: {  	v17 =	vld [tilespmem:s31+$0xB0]  }
0xd1: {  	v22 =	vld [tilespmem:$0x12440]  }
0xd2: {  	v21 =	vld [tilespmem:$0x12310]  }
0xd3: {  	v26 =	vld [tilespmem:s0+$0xFFFFFFB0]  }
0xd4: {  	v27 =	vld [tilespmem:s31+$0xFFFFFFB0]  }
0xd5: {  	v28 =	vld [tilespmem:$0x12390]  }
0xd6: {  	v29 =	vld [tilespmem:s0+$0x30]  }
0xd7: {  	v30 =	vld [tilespmem:s31+$0x30]  }
0xd8: {  	v11 =	vld [tilespmem:$0x12520]  }
0xd9: {  	v31 =	vld [tilespmem:$0x12400]  }
0xda: {  	v32 =	vld [tilespmem:s0+$0xA0]  }
0xdb: {  	v33 =	vld [tilespmem:s31+$0xA0]  }
0xdc: {  	v34 =	vld [tilespmem:$0x12300]  }
0xdd: {  	v35 =	vld [tilespmem:s0+$0xFFFFFFA0]  }
0xde: {  	v36 =	vld [tilespmem:s31+$0xFFFFFFA0]  }
0xdf: {  	v37 =	vld [tilespmem:$0x12380]  }
0xe0: {  	v38 =	vld [tilespmem:s0+$0x20]  }
0xe1: {  	v39 =	vld [tilespmem:s31+$0x20]  }
0xe2: {  	v40 =	vld [tilespmem:$0x123F0]  }
0xe3: {  	v41 =	vld [tilespmem:s0+$0x90]  }
0xe4: {  	v42 =	vld [tilespmem:s31+$0x90]  }
0xe5: {  	v43 =	vld [tilespmem:$0x122F0]  }
0xe6: {  	v44 =	vld [tilespmem:s0+$0xFFFFFF90]  }
0xe7: {  	v45 =	vld [tilespmem:s31+$0xFFFFFF90]  }
0xe8: {  	v46 =	vld [tilespmem:$0x12370]  }
0xe9: {  	v47 =	vld [tilespmem:s0+$0x10]  }
0xea: {  	v48 =	vld [tilespmem:s31+$0x10]  }
0xeb: {  	v49 =	vld [tilespmem:$0x123E0]  }
0xec: {  	v50 =	vld [tilespmem:s0+$0x80]  }
0xed: {  	v10 =	vmul.f32 v10, v8;
	v15 =	vadd.f32 v15, v17;
	v51 =	vld [tilespmem:s31+$0x80]  }
0xee: {  	v17 =	vld [tilespmem:$0x122E0]  }
0xef: {  	v10 =	vadd.f32 v10, v15;
	v52 =	vld [tilespmem:s0+$0xFFFFFF80]  }
0xf0: {  	v21 =	vmul.f32 v21, v8;
	v15 =	vadd.f32 v26, v27;
	v53 =	vld [tilespmem:s31+$0xFFFFFF80]  }
0xf1: {  	v27 =	vmul.f32 $2.000000030e-01, v10;
	v26 =	vld [tilespmem:$0x12360]  }
0xf2: {  	v15 =	vadd.f32 v21, v15;
	v31 =	vmul.f32 v31, v8;
	v32 =	vadd.f32 v32, v33;
	v21 =	vld [tilespmem:s0+$0x0]  }
0xf3: {  	vm0 =	vge.f32 v10, $0.0e+00;
	v33 =	vld [tilespmem:s31+$0x0]  }
0xf4: {  	v10 =	vsel vm0, v10, v27;
	v54 =	vmul.f32 $2.000000030e-01, v15;
	v31 =	vadd.f32 v31, v32;
	v55 =	vld [tilespmem:$0x123D0]  }
0xf5: {  	vm0 =	vge.f32 v15, $0.0e+00;
	v32 =	vmul.f32 v34, v8;
	v27 =	vadd.f32 v35, v36;
	v34 =	vld [tilespmem:s0+$0x70]  }
0xf6: {  	v10 =	vmul.f32 v10, v9;
	v15 =	vsel vm0, v15, v54;
	v36 =	vmul.f32 $2.000000030e-01, v31;
	v35 =	vld [tilespmem:s31+$0x70]  }
0xf7: {  	v9 =	vmul.f32 v15, v14;
	vm0 =	vge.f32 v31, $0.0e+00;
	v27 =	vadd.f32 v32, v27;
	v54 =	vld [tilespmem:$0x122D0]  }
0xf8: {  	v28 =	vmul.f32 v28, v8;
	v29 =	vadd.f32 v29, v30;
	v14 =	vsel vm0, v31, v36;
	v32 =	vld [tilespmem:s0+$0xFFFFFF70]  }
0xf9: {  	v15 =	vmul.f32 $2.000000030e-01, v27;
	v36 =	vmul.f32 v40, v8;
	v31 =	vadd.f32 v41, v42;
	v30 =	vld [tilespmem:s31+$0xFFFFFF70]  }
0xfa: {  	v37 =	vmul.f32 v37, v8;
	v38 =	vadd.f32 v38, v39;
	vm0 =	vge.f32 v27, $0.0e+00;
	v40 =	vld [tilespmem:$0x12350]  }
0xfb: {  	v27 =	vsel vm0, v27, v15;
	v15 =	vmul.f32 v14, v13;
	v31 =	vadd.f32 v36, v31;
	v39 =	vld [tilespmem:s0+$0xFFFFFFF0]  }
0xfc: {  	v14 =	vadd.f32 v37, v38;
	v41 =	vmul.f32 v43, v8;
	v36 =	vadd.f32 v44, v45;
	v42 =	vld [tilespmem:s31+$0xFFFFFFF0]  }
0xfd: {  	v13 =	vmul.f32 v27, v12;
	v12 =	vadd.f32 v28, v29;
	v28 =	vmul.f32 $2.000000030e-01, v31;
	v27 =	vld [tilespmem:$0x123C0]  }
0xfe: {  	vm0 =	vge.f32 v14, $0.0e+00;
	vm1 =	vge.f32 v31, $0.0e+00;
	v29 =	vadd.f32 v41, v36;
	v36 =	vld [tilespmem:s0+$0x60]  }
0xff: {  	v28 =	vsel vm1, v31, v28;
	v41 =	vmul.f32 v49, v8;
	v38 =	vadd.f32 v50, v51;
	v37 =	vld [tilespmem:s31+$0x60]  }
0x100: {  	vm1 =	vge.f32 v29, $0.0e+00;
	v43 =	vmul.f32 $2.000000030e-01, v29;
	v16 =	vmul.f32 v28, v16;
	v31 =	vld [tilespmem:$0x122C0]  }
0x101: {  	v45 =	vmul.f32 v46, v8;
	v44 =	vadd.f32 v47, v48;
	v38 =	vadd.f32 v41, v38;
	v28 =	vld [tilespmem:s0+$0xFFFFFF60]  }
0x102: {  	v29 =	vsel vm1, v29, v43;
	v47 =	vmul.f32 v17, v8;
	v46 =	vadd.f32 v52, v53;
	v41 =	vld [tilespmem:s31+$0xFFFFFF60]  }
0x103: {  	v17 =	vadd.f32 v45, v44;
	vm2 =	vge.f32 v38, $0.0e+00;
	v44 =	vmul.f32 $2.000000030e-01, v38;
	v43 =	vld [tilespmem:$0x12340]  }
0x104: {  	v45 =	vadd.f32 v47, v46;
	v34 =	vadd.f32 v34, v35;
	v35 =	vmul.f32 v55, v8;
	v46 =	vld [tilespmem:s0+$0xFFFFFFE0]  }
0x105: {  	v18 =	vmul.f32 v29, v18;
	vm1 =	vge.f32 v17, $0.0e+00;
	v38 =	vsel vm2, v38, v44;
	v29 =	vld [tilespmem:s31+$0xFFFFFFE0]  }
0x106: {  	vm2 =	vge.f32 v45, $0.0e+00;
	v19 =	vmul.f32 v38, v19;
	v34 =	vadd.f32 v35, v34;
	v44 =	vld [tilespmem:$0x123A0]  }
0x107: {  	v35 =	vmul.f32 $2.000000030e-01, v45;
	v30 =	vadd.f32 v32, v30;
	v32 =	vmul.f32 v54, v8;
	v38 =	vld [tilespmem:s0+$0x40]  }
0x108: {  	v26 =	vmul.f32 v26, v8;
	v21 =	vadd.f32 v21, v33;
	v33 =	vmul.f32 $2.000000030e-01, v34;
	v47 =	vld [tilespmem:s31+$0x40]  }
0x109: {  	v30 =	vadd.f32 v32, v30;
	v32 =	vsel vm2, v45, v35;
	vm2 =	vge.f32 v34, $0.0e+00;
	v45 =	vld [tilespmem:$0x123B0]  }
0x10a: {  	v21 =	vadd.f32 v26, v21;
	v20 =	vmul.f32 v32, v20;
	v26 =	vsel vm2, v34, v33;
	v48 =	vld [tilespmem:s0+$0x50]  }
0x10b: {  	v32 =	vmul.f32 $2.000000030e-01, v30;
	v27 =	vmul.f32 v27, v8;
	v33 =	vadd.f32 v36, v37;
	v34 =	vld [tilespmem:s31+$0x50]  }
0x10c: {  	v35 =	vadd.f32 v39, v42;
	vm2 =	vge.f32 v30, $0.0e+00;
	v37 =	vmul.f32 v40, v8;
	v36 =	vld [tilespmem:$0x122A0]  }
0x10d: {  	v26 =	vmul.f32 v26, v25;
	v30 =	vsel vm2, v30, v32;
	v27 =	vadd.f32 v27, v33;
	v39 =	vld [tilespmem:s0+$0xFFFFFF40]  }
0x10e: {  	v32 =	vmul.f32 v31, v8;
	v25 =	vadd.f32 v37, v35;
	v28 =	vadd.f32 v28, v41;
	v40 =	vld [tilespmem:s31+$0xFFFFFF40]  }
0x10f: {  	vm2 =	vge.f32 v21, $0.0e+00;
	v24 =	vmul.f32 v30, v24;
	v30 =	vmul.f32 $2.000000030e-01, v27;
	v31 =	vld [tilespmem:$0x122B0]  }
0x110: {  	vm3 =	vge.f32 v25, $0.0e+00;
	vm4 =	vge.f32 v27, $0.0e+00;
	v28 =	vadd.f32 v32, v28;
	v33 =	vld [tilespmem:s0+$0xFFFFFF50]  }
0x111: {  	v37 =	vmul.f32 v43, v8;
	v32 =	vadd.f32 v46, v29;
	v27 =	vsel vm4, v27, v30;
	v35 =	vld [tilespmem:s31+$0xFFFFFF50]  }
.Ltmp1:
0x112: {  	vm4 =	vge.f32 v28, $0.0e+00;
	v41 =	vmul.f32 $2.000000030e-01, v28;
	v27 =	vmul.f32 v27, v23;
	v29 =	vld [tilespmem:$0x12320];
	(pc) =	sbr.rel @p0 .LBB2_5-.Ltmp1, $4  }
0x113: {  	v23 =	vadd.f32 v37, v32;
	v37 =	vadd.f32 v38, v47;
	v38 =	vmul.f32 v44, v8;
	v30 =	vld [tilespmem:s0+$0xFFFFFFC0]  }
0x114: {  	v28 =	vsel vm4, v28, v41;
	v42 =	vmul.f32 v45, v8;
	v41 =	vadd.f32 v48, v34;
	v32 =	vld [tilespmem:s31+$0xFFFFFFC0]  }
0x115: {  	v22 =	vmul.f32 v28, v22;
	v28 =	vmul.f32 $2.000000030e-01, v23;
	v38 =	vadd.f32 v38, v37;
	v34 =	vld [tilespmem:$0x12330]  }
0x116: {  	s3 =	sadd.s32 $0x40, s3;
	v37 =	vadd.f32 v42, v41;
	v39 =	vadd.f32 v39, v40;
	v40 =	vmul.f32 v36, v8;
	v36 =	vld [tilespmem:s0+$0xFFFFFFD0]  }
0x117: {  	v33 =	vadd.f32 v33, v35;
	v49 =	vld [tilespmem:s31+$0xFFFFFFD0]  }
0x118: {  	v31 =	vmul.f32 v31, v8;
	v41 =	vmul.f32 $2.000000030e-01, v38;
	vm4 =	vge.f32 v38, $0.0e+00  }
0x119: {  	v29 =	vmul.f32 v29, v8;
	vm6 =	vge.f32 v23, $0.0e+00;
	v45 =	vmul.f32 $2.000000030e-01, v21  }
0x11a: {  	v42 =	vld [tilespmem:$0x12530];
	v39 =	vadd.f32 v40, v39;
	v50 =	vmul.f32 $2.000000030e-01, v37;
	vm11 =	vge.f32 v37, $0.0e+00  }
0x11b: {  	v43 =	vld [tilespmem:$0x12420];
	v31 =	vadd.f32 v31, v33;
	v51 =	vsel vm4, v38, v41;
	v30 =	vadd.f32 v30, v32  }
0x11c: {  	v53 =	vld [tilespmem:$0x12430];
	v52 =	vmul.f32 $2.000000030e-01, v39;
	v8 =	vmul.f32 v34, v8;
	v56 =	vadd.f32 v36, v49  }
0x11d: {  	v58 =	vld [tilespmem:$0x124A0];
	v11 =	vmul.f32 v51, v11;
	v54 =	vsel vm11, v37, v50;
	vm12 =	vge.f32 v39, $0.0e+00  }
0x11e: {  	v59 =	vld [tilespmem:$0x124B0];
	v55 =	vmul.f32 $2.000000030e-01, v31;
	v29 =	vadd.f32 v29, v30;
	v8 =	vadd.f32 v8, v56  }
0x11f: {  	vm13 =	vge.f32 v31, $0.0e+00;
	v57 =	vsel vm12, v39, v52;
	v33 =	vmul.f32 v54, v42  }
0x120: {  	v63 =	vld [tilespmem:$0x124C0];
	v31 =	vsel vm13, v31, v55;
	v61 =	vmul.f32 $2.000000030e-01, v29;
	v62 =	vmul.f32 $2.000000030e-01, v8  }
0x121: {  	v60 =	vmul.f32 v57, v43;
	vm14 =	vge.f32 v29, $0.0e+00;
	vm5 =	vge.f32 v8, $0.0e+00  }
0x122: {  	v40 =	vld [tilespmem:$0x124D0];
	v31 =	vmul.f32 v31, v53;
	v29 =	vsel vm14, v29, v61;
	v8 =	vsel vm5, v8, v62  }
0x123: {  	v11 =	vadd.f32 v33, v11;
	v41 =	vmul.f32 v29, v58;
	v8 =	vmul.f32 v8, v59  }
0x124: {  	v44 =	vld [tilespmem:$0x124E0];
	v23 =	vsel vm6, v23, v28;
	v43 =	vmul.f32 $2.000000030e-01, v25;
	v42 =	vadd.f32 v31, v60  }
0x125: {  	v23 =	vmul.f32 v23, v63;
	v11 =	vadd.f32 v27, v11;
	v8 =	vadd.f32 v8, v41  }
0x126: {  	v46 =	vld [tilespmem:$0x124F0];
	v48 =	vmul.f32 $2.000000030e-01, v17;
	v25 =	vsel vm3, v25, v43;
	v22 =	vadd.f32 v22, v42  }
0x127: {  	v47 =	vmul.f32 v25, v40;
	v11 =	vadd.f32 v26, v11;
	v8 =	vadd.f32 v23, v8  }
0x128: {  	vm15 =	vge.f32 v12, $0.0e+00;
	v21 =	vsel vm2, v21, v45;
	v49 =	vld [tilespmem:$0x12500];
	v22 =	vadd.f32 v24, v22  }
0x129: {  	v50 =	vmul.f32 v21, v44;
	v11 =	vadd.f32 v19, v11;
	v8 =	vadd.f32 v47, v8  }
0x12a: {  	v17 =	vsel vm1, v17, v48;
	v52 =	vmul.f32 $2.000000030e-01, v14;
	v53 =	vld [tilespmem:$0x12510];
	v51 =	vadd.f32 v20, v22  }
0x12b: {  	v54 =	vmul.f32 v17, v46;
	v11 =	vadd.f32 v16, v11;
	v8 =	vadd.f32 v50, v8  }
0x12c: {  	v14 =	vsel vm0, v14, v52;
	v56 =	vmul.f32 $2.000000030e-01, v12;
	v55 =	vadd.f32 v18, v51  }
0x12d: {  	v14 =	vmul.f32 v14, v49;
	v11 =	vadd.f32 v15, v11;
	v8 =	vadd.f32 v54, v8  }
0x12e: {  	v12 =	vsel vm15, v12, v56;
	v13 =	vadd.f32 v13, v55  }
0x12f: {  	v57 =	vmul.f32 v12, v53;
	v10 =	vadd.f32 v10, v11;
	v8 =	vadd.f32 v14, v8  }
0x130: {  	v9 =	vadd.f32 v9, v13  }
0x131: {  	(xrf2) =	vadd.scan.msk.f32 $0xffff, v10;
	v8 =	vadd.f32 v57, v8  }
0x132: {  	(xrf2) =	vadd.scan.msk.f32 $0xffff, v9  }
0x133: {  	(xrf2) =	vadd.scan.msk.f32 $0xffff, v8;
	_ =	sdelay $0x7  }
0x134: {  	v8, _, _ =	vpop (xrf2)  }
0x135: {  	v9, _, _ =	vpop (xrf2)  }
0x136: {  	v58, _, _ =	vpop (xrf2)  }
0x137: {  	v9 =	vbroadcast v9, $0xF;
	v10 =	vbroadcast v58, $0xF  }
0x138: {  	v8 =	vbroadcast v8, $0xF  }
0x139: {  	v9 =	vmul.f32 v1, v9;
	v10 =	vmul.f32 v2, v10;
	_ =	sdelay $0x1  }
0x13a: {  	v59 =	vld [tilespmem:s31+$0xC0];
	v8 =	vmul.f32 v3, v8;
	v9 =	vadd.f32 v10, v9;
	_ =	sdelay $0x1  }
0x13b: {  	v8 =	vadd.f32 v8, v9;
	_ =	sdelay $0x1  }
0x13c: {  	v8 =	vmul.f32 $1.442695020e+00, v8  }
0x13d: {  	v61 =	vbroadcast v59, $0x1  }
0x13e: {  	v60 =	vbroadcast v59, $0x0;
	(erf) = vpow2.f32 v8  }
0x13f: {  	v62 =	vmul.f32 v5, v61  }
0x140: {  	v9 =	vmul.f32 v4, v60;
	v8 =	vbroadcast v59, $0x2;
	_ =	sdelay $0x1  }
0x141: {  	v9 =	vadd.f32 v62, v9;
	v8 =	vmul.f32 v6, v8;
	_ =	sdelay $0x1  }
0x142: {  	v8 =	vadd.f32 v9, v8;
	_ =	sdelay $0x1  }
0x143: {  	v8 =	vadd.f32 v7, v8  }
0x144: {  	v63 =	vpop (erf)  }
0x145: {  	s29 =	sadd.s32 $0x1, s29;
	v8 =	vmul.f32 v63, v8  }
0x146: {  	p0 =	sne.s32 s29, $0x7D  }
.Ltmp2:
0x147: {  	[tilespmem:s30+$0x11DA0] =	vst v8;
	(pc) =	sbr.rel @p0 .LBB2_4-.Ltmp2, $4  }
0x148: {  	[spmem:s4] =	stream.indirect.scatter.add.f32 [tilespmem:s25], [sflag:$0x3], $0x10, s19, s19, $0xb8;
	[tilespmem:$0x175A0] =	vst v63  }
0x149: {  	_ =	swait.ge [sflag:s16], $0x500  }
0x14a: {  	[sflag:s16] =	ssyncset.done $0x0  }
0x14b: {  	[sflag:s16] =	ssyncadd.s32 $0xFFFFFB00  }
0x14c: {  	[bflag:$0x0] =	sbarrier.arrive $0xFFFF  }
0x14d: {  	[tilespmem:s15], [sflag:$0x3] =	stream.linear.gather [spmem:s11], $0x2800, $0x38;
	[tilespmem:$0x175A0] =	vst v63  }
0x14e: {  	s26 =	sadd.s32 $0x1, s26;
	_ =	swait.ge [sflag:s16], $0x2800  }
0x14f: {  	p0 =	sne.s32 s26, s14;
	[sflag:s16] =	ssyncset.done $0x0  }
.Ltmp3:
0x150: {  	[sflag:s16] =	ssyncadd.s32 $0xFFFFD800;
	(pc) =	sbr.rel @p0 .LBB2_1-.Ltmp3, $4  }
0x151: {  	[hbm4b:s13+s5] =	stream.linear.scatter [tilespmem:s15], [sflag:$0x3], $0x2800, $0x38;
	[tilespmem:$0x175A0] =	vst v63  }
0x152: {  	_ =	swait.ge [sflag:s16], $0x2800  }
0x153: {  	[sflag:s16] =	ssyncset.done $0x0  }
0x154: {  	[sflag:s16] =	ssyncadd.s32 $0xFFFFD800  }
0x155: {  	_ =	sfence.sel $0x180000  }
0x156: {  	[bflag:$0x0] =	sbarrier.arrive $0xFFFF  }
0x157: {  	_ =	strace $0x90000047  }
0x158: {  	s0 =	stileid.u32;
	[bflag:$0x2] =	sbarrier.arrive $0xFFFF  }
0x159: {  	p0 =	sne.s32 s0, $0x0;
	s0 =	rddreg [dreg:$0x4]  }
0x15a: {  	s0 =	sadd.s32 @!p0 $0x100000, s0  }
0x15b: {  	[sflag:s0] =	ssyncadd.tile.s32 @!p0 $0x1;
	_ =	shalt  }
.Lfunc_end2:
_tile_overlayer_lowered:
.L_overlay_start_2:
0x15c: {  	(tag) =	ssettag $0x2  }
0x15d: {  	s0 =	rddreg [dreg:$0x0];
	s2 =	stileid.u32  }
0x15e: {  	s1 =	rddreg [dreg:$0x1];
	p0 =	sne.s32 s2, $0x0  }
0x15f: {  	s3 =	rddreg [dreg:$0x2];
	[bflag:$0x3] =	sbarrier.arrive $0xFFFF;
	s2 =	simm.s32 @!p0 $0x1C03  }
0x160: {  	[timem:s3], [sflag:s2] =	dma.local @!p0 [hbm:s0], s1  }
0x161: {  	s0 =	simm.s32 @!p0 $0x3  }
0x162: {  	_ =	swait.ge @!p0 [sflag:s0], s1  }
0x163: {  	s1 =	ssub.s32 @!p0 $0x0, s1;
	[sflag:s0] =	ssyncset.done @!p0 $0x0  }
0x164: {  	[sflag:s0] =	ssyncadd.s32 @!p0 s1  }
0x165: {  	[bflag:$0x3] =	sbarrier.arrive $0xFFFF  }
0x166: {  	_ =	shalt  }

</sc_bundles>
